<compile_context>
chip_gen: v7x
topology: tpu7x:2x2x1
jax: 0.10.2.dev20260603
libtpu: 0.0.44.dev20260713+nightly
codegen_flags: <defaults>
</compile_context>

<pallas_src>
import functools

import jax
import jax.numpy as jnp
import numpy as np
from jax import lax
from jax.experimental import pallas as pl
from jax.experimental.pallas import tpu as pltpu
from jax.experimental.pallas import tpu_sc as plsc

N = 10000
E = 320000
D = 128

NC = 2
NS = 16
NW = NC * NS

CHS = 128
NCHS = 80
E_PAD = NW * NCHS * CHS
E_W = E_PAD // NW
GRP = 8

N_PAD = 10240
N_ACC = 10080
DEG_WIN = 16

_mesh = plsc.VectorSubcoreMesh(
    core_axis_name="c", subcore_axis_name="s", num_cores=NC, num_subcores=NS
)


def _fill_1d(ref, n, value):
    v = jnp.full((16,), value, jnp.float32)

    def body(i, _):
        ref[pl.ds(i * 16, 16)] = v
        return 0

    lax.fori_loop(0, n // 16, body, 0)


@functools.partial(
    pl.kernel,
    out_type=jax.ShapeDtypeStruct((NC, N_PAD), jnp.float32),
    mesh=_mesh,
    scratch_types=[
        pltpu.VMEM((NCHS, CHS), jnp.int32),
        pltpu.VMEM((128,), jnp.float32),
        pltpu.VMEM((640,), jnp.float32),
        pltpu.VMEM_SHARED((N_PAD,), jnp.float32),
        pltpu.SemaphoreType.DMA,
    ],
)
def _deg(ei_hbm, out_hbm, idx2, ones_v, zeros_v, deg_sh, sem):
    cid = lax.axis_index("c")
    sid = lax.axis_index("s")
    wid = sid * NC + cid

    _fill_1d(ones_v, 128, 1.0)
    _fill_1d(zeros_v, 640, 0.0)
    pltpu.sync_copy(zeros_v, deg_sh.at[pl.ds(sid * 640, 640)])
    pltpu.sync_copy(ei_hbm.at[0, wid], idx2)
    plsc.subcore_barrier()

    ones_src = ones_v.at[pl.ds(0, CHS)]

    def prime(j, _):
        pltpu.async_copy(ones_src, deg_sh.at[idx2.at[j]], sem, add=True)
        return 0

    lax.fori_loop(0, DEG_WIN, prime, 0)

    def step(j, _):
        pltpu.make_async_copy(ones_src, deg_sh.at[idx2.at[j]], sem).wait()

        @pl.when(j < NCHS - DEG_WIN)
        def _():
            pltpu.async_copy(ones_src, deg_sh.at[idx2.at[j + DEG_WIN]], sem,
                             add=True)

        return 0

    lax.fori_loop(0, NCHS, step, 0)

    plsc.subcore_barrier()

    @pl.when(sid == 0)
    def _():
        pltpu.sync_copy(deg_sh, out_hbm.at[cid])


@functools.partial(
    pl.kernel,
    out_type=jax.ShapeDtypeStruct((NC, N, D), jnp.float32),
    mesh=_mesh,
    scratch_types=[
        pltpu.VMEM((NCHS, CHS), jnp.int32),
        [pltpu.VMEM((GRP, CHS), jnp.int32)] * 2,
        [pltpu.VMEM((CHS, D), jnp.float32)] * 2,
        [pltpu.SemaphoreType.DMA] * 2,
        [pltpu.SemaphoreType.DMA] * 2,
        [pltpu.SemaphoreType.DMA] * 2,
        pltpu.SemaphoreType.DMA,
        pltpu.VMEM_SHARED((N_ACC, D), jnp.float32),
    ],
)
def _spmm(ei_hbm, g_hbm, acc_hbm,
          colv2, rowbs, gbufs, gsems, ssems, rsems, isem, acc_sh):
    cid = lax.axis_index("c")
    sid = lax.axis_index("s")
    wid = sid * NC + cid
    ngrp = NCHS // GRP

    def rows_src(g):
        return ei_hbm.at[0, wid, pl.ds(pl.multiple_of(g * GRP, GRP), GRP)]

    c_idx = pltpu.async_copy(ei_hbm.at[1, wid], colv2, isem)
    for p in range(2):
        pltpu.async_copy(rows_src(p), rowbs[p], rsems[p])

    r0 = sid * (N // NS)

    @pl.when(cid == 0)
    def _():
        @pl.when(sid < NS - 1)
        def _():
            s0 = sid * 624
            pltpu.sync_copy(g_hbm.at[pl.ds(s0, 624)],
                            acc_sh.at[pl.ds(s0, 624)])

        @pl.when(sid == NS - 1)
        def _():
            pltpu.sync_copy(g_hbm.at[pl.ds(624 * (NS - 1), 640)],
                            acc_sh.at[pl.ds(624 * (NS - 1), 640)])

    @pl.when(cid == 1)
    def _():
        zb = gbufs[0]

        def zrow(i, _):
            def zcol(j, _):
                zb[i, pl.ds(j * 16, 16)] = jnp.zeros((16,), jnp.float32)
                return 0
            lax.fori_loop(0, D // 16, zcol, 0)
            return 0

        lax.fori_loop(0, CHS, zrow, 0)
        for k in range(5):
            pltpu.sync_copy(zb, acc_sh.at[pl.ds(r0 + k * CHS, CHS)])

    c_idx.wait()
    plsc.subcore_barrier()

    for b in range(2):
        pltpu.async_copy(g_hbm.at[colv2.at[b]], gbufs[b], gsems[b])

    def group(g, p):
        pltpu.make_async_copy(rows_src(g), rowbs[p], rsems[p]).wait()
        for i in range(GRP):
            b = i % 2
            j = g * GRP + i
            pltpu.make_async_copy(g_hbm.at[colv2.at[j]], gbufs[b],
                                  gsems[b]).wait()
            pltpu.sync_copy(gbufs[b], acc_sh.at[rowbs[p].at[i]], add=True)

            @pl.when(j < NCHS - 2)
            def _(j=j, b=b):
                pltpu.async_copy(g_hbm.at[colv2.at[j + 2]], gbufs[b],
                                 gsems[b])

        @pl.when(g < ngrp - 2)
        def _():
            pltpu.async_copy(rows_src(g + 2), rowbs[p], rsems[p])

    def pair(kk, _):
        group(2 * kk, 0)
        group(2 * kk + 1, 1)
        return 0

    lax.fori_loop(0, ngrp // 2, pair, 0)

    plsc.subcore_barrier()

    @pl.when(sid < NS - 1)
    def _():
        s0 = sid * 624
        pltpu.sync_copy(acc_sh.at[pl.ds(s0, 624)],
                        acc_hbm.at[cid, pl.ds(s0, 624)])

    @pl.when(sid == NS - 1)
    def _():
        pltpu.sync_copy(acc_sh.at[pl.ds(624 * (NS - 1), 640)],
                        acc_hbm.at[cid, pl.ds(624 * (NS - 1), 640)])


def _linear_body(x_ref, wt_ref, b_ref, deg_ref, g_ref):
    h = jnp.dot(x_ref[...], wt_ref[...], preferred_element_type=jnp.float32)
    h = h + b_ref[...]
    deg = jnp.sum(deg_ref[...], axis=1, keepdims=True) + 1.0
    g_ref[...] = h * lax.rsqrt(deg)


def _combine_body(acc_ref, deg_ref, o_ref):
    deg = jnp.sum(deg_ref[...], axis=1, keepdims=True) + 1.0
    o_ref[...] = (acc_ref[0] + acc_ref[1]) * lax.rsqrt(deg)


def kernel(x, edge_index, W, b):
    ei = edge_index.astype(jnp.int32)
    npad = E_PAD - E
    pad_np = np.stack([N + (np.arange(npad) % (N_ACC - N)),
                       np.arange(npad) % N]).astype(np.int32)
    ei4 = jnp.concatenate([ei, jnp.asarray(pad_np)], axis=1)
    ei4 = ei4.reshape(2, NW, NCHS, CHS)

    degs = _deg(ei4)
    degs_t = degs[:, :N].T

    g = pl.pallas_call(
        _linear_body,
        grid=(5,),
        in_specs=[
            pl.BlockSpec((N // 5, D), lambda i: (i, 0)),
            pl.BlockSpec((D, D), lambda i: (0, 0)),
            pl.BlockSpec((1, D), lambda i: (0, 0)),
            pl.BlockSpec((N // 5, 2), lambda i: (i, 0)),
        ],
        out_specs=pl.BlockSpec((N // 5, D), lambda i: (i, 0)),
        out_shape=jax.ShapeDtypeStruct((N, D), jnp.float32),
    )(x, W.T, b.reshape(1, D), degs_t)

    accs = _spmm(ei4, g)

    out = pl.pallas_call(
        _combine_body,
        grid=(5,),
        in_specs=[
            pl.BlockSpec((NC, N // 5, D), lambda i: (0, i, 0)),
            pl.BlockSpec((N // 5, 2), lambda i: (i, 0)),
        ],
        out_specs=pl.BlockSpec((N // 5, D), lambda i: (i, 0)),
        out_shape=jax.ShapeDtypeStruct((N, D), jnp.float32),
    )(accs, degs_t)
    return out

# --- scband reference (transcript-rebuilt; emitter-appended) ---
"""Pipeline reference for scband-gcnconv-17497696764534 (READ-ONLY COPY).

The authoritative reference and input builder live on the scoring server;
editing this copy changes nothing except your own understanding.
"""

import jax, jax.numpy as jnp
import numpy as np

N_NODES = 10000
N_EDGES = 320000
D_IN = 128
D_OUT = 128


def setup_inputs(seed: int = 0) -> dict:
    key = jax.random.key(seed)
    k1, k2, k3, k4 = jax.random.split(key, 4)
    x = jax.random.normal(k1, (N_NODES, D_IN), dtype=jnp.float32)
    edge_index = jax.random.randint(k2, (2, N_EDGES), 0, N_NODES, dtype=jnp.int64)
    # Linear layer params (xavier-normal-ish init for W, zeros-like small b)
    gain = float(np.sqrt(2.0))  # calculate_gain('relu')
    std = gain * np.sqrt(2.0 / (D_IN + D_OUT))
    W = jax.random.normal(k3, (D_OUT, D_IN), dtype=jnp.float32) * std
    b = jax.random.uniform(k4, (D_OUT,), dtype=jnp.float32, minval=-1.0 / np.sqrt(D_IN), maxval=1.0 / np.sqrt(D_IN))
    return {"x": x, "edge_index": edge_index, "W": W, "b": b}


def reference(x, edge_index, W, b):
    N = x.shape[0]
    E = edge_index.shape[1]
    loop = jnp.arange(N, dtype=edge_index.dtype)
    rows = jnp.concatenate([loop, edge_index[0]])
    cols = jnp.concatenate([loop, edge_index[1]])
    vals = jnp.concatenate([jnp.ones((N,), jnp.float32), jnp.ones((E,), jnp.float32)])
    # rowsum of (A + I); coalescing duplicates is equivalent under summation
    rowsum = jax.ops.segment_sum(vals, rows, num_segments=N)
    d_inv = jnp.power(rowsum, -0.5)
    d_inv = jnp.where(jnp.isinf(d_inv), 0.0, d_inv)
    # D^{-1/2} A D^{-1/2}: val' = d_inv[row] * val * d_inv[col]
    vals_norm = d_inv[rows] * vals * d_inv[cols]
    # linear
    h = x @ W.T + b
    # sparse matmul: out[row] += val' * h[col]
    out = jax.ops.segment_sum(vals_norm[:, None] * h[cols], rows, num_segments=N)
    return out

if __name__ == "__main__":
    import jax
    _d = setup_inputs()
    print(jax.jit(kernel)(*tuple(_d.values())))

</pallas_src>

<mosaic_0001>
#map = affine_map<(d0, d1) -> (0, 0, 0, 0)>
#map1 = affine_map<(d0, d1) -> (0, 0)>
module attributes {stable_mosaic.version = 14 : i64} {
  func.func @_deg(%arg0: i32, %arg1: i32, %arg2: memref<2x32x80x128xi32, #tpu.memory_space<hbm>>, %arg3: memref<2x10240xf32, #tpu.memory_space<hbm>>, %arg4: memref<80x128xi32, #tpu.memory_space<vmem>>, %arg5: memref<128xf32, #tpu.memory_space<vmem>>, %arg6: memref<640xf32, #tpu.memory_space<vmem>>, %arg7: memref<10240xf32, #tpu.memory_space<vmem_shared>>, %arg8: memref<!tpu.dma_semaphore, #tpu.memory_space<semaphore_mem>>) attributes {dimension_semantics = [#tpu.dimension_semantics<core_parallel>, #tpu.dimension_semantics<subcore_parallel>], iteration_bounds = array<i64: 2, 16>, scalar_prefetch = 0 : i64, scratch_operands = 5 : i64, tpu.core_type = #tpu.core_type<sc_vector_subcore>, window_params = [{transform_indices = #map}, {transform_indices = #map1}]} {
    %mul3A = arith.constant 2 : i32
    %mul3A_0 = arith.muli %arg1, %mul3A : i32
    %add3A = arith.addi %mul3A_0, %arg0 : i32
    %broadcast_in_dim3A = arith.constant 1.000000e+00 : f32
    %broadcast_in_dim3A_1 = vector.broadcast %broadcast_in_dim3A : f32 to vector<16xf32>
    %scan3A = arith.constant 0 : i32
    %scan3A_2 = arith.constant 0 : i32
    %scan3A_3 = arith.constant 8 : i32
    %scan3A_4 = arith.addi %scan3A_2, %scan3A_3 : i32
    %scan3A_5 = arith.constant 1 : i32
    %scan3A_6 = scf.for %scan3A_36 = %scan3A_2 to %scan3A_4 step %scan3A_5 iter_args(%scan3A_37 = %scan3A) -> (i32)  : i32 {
      %mul3A_38 = arith.constant 16 : i32
      %mul3A_39 = arith.muli %scan3A_36, %mul3A_38 : i32
      %swap3A = arith.index_cast %mul3A_39 : i32 to index
      %swap3A_40 = tpu.vector_load %arg5[%swap3A] {strides = array<i32>} : memref<128xf32, #tpu.memory_space<vmem>>, vector<16xf32>,
      %swap3A_41 = vector.shape_cast %swap3A_40 : vector<16xf32> to vector<16xf32>
      %swap3A_42 = vector.shape_cast %broadcast_in_dim3A_1 : vector<16xf32> to vector<16xf32>
      tpu.vector_store %arg5[%swap3A], %swap3A_42 {strides = array<i32>} : memref<128xf32, #tpu.memory_space<vmem>>, vector<16xf32>,
      %scan3A_43 = arith.constant 0 : i32
      scf.yield %scan3A_43 : i32
    }
    %scan3A_7 = arith.constant 8 : i32
    %broadcast_in_dim3A_8 = arith.constant 0.000000e+00 : f32
    %broadcast_in_dim3A_9 = vector.broadcast %broadcast_in_dim3A_8 : f32 to vector<16xf32>
    %scan3A_10 = arith.constant 0 : i32
    %scan3A_11 = arith.constant 0 : i32
    %scan3A_12 = arith.constant 40 : i32
    %scan3A_13 = arith.addi %scan3A_11, %scan3A_12 : i32
    %scan3A_14 = arith.constant 1 : i32
    %scan3A_15 = scf.for %scan3A_36 = %scan3A_11 to %scan3A_13 step %scan3A_14 iter_args(%scan3A_37 = %scan3A_10) -> (i32)  : i32 {
      %mul3A_38 = arith.constant 16 : i32
      %mul3A_39 = arith.muli %scan3A_36, %mul3A_38 : i32
      %swap3A = arith.index_cast %mul3A_39 : i32 to index
      %swap3A_40 = tpu.vector_load %arg6[%swap3A] {strides = array<i32>} : memref<640xf32, #tpu.memory_space<vmem>>, vector<16xf32>,
      %swap3A_41 = vector.shape_cast %swap3A_40 : vector<16xf32> to vector<16xf32>
      %swap3A_42 = vector.shape_cast %broadcast_in_dim3A_9 : vector<16xf32> to vector<16xf32>
      tpu.vector_store %arg6[%swap3A], %swap3A_42 {strides = array<i32>} : memref<640xf32, #tpu.memory_space<vmem>>, vector<16xf32>,
      %scan3A_43 = arith.constant 0 : i32
      scf.yield %scan3A_43 : i32
    }
    %scan3A_16 = arith.constant 40 : i32
    %mul3A_17 = arith.constant 640 : i32
    %mul3A_18 = arith.muli %arg1, %mul3A_17 : i32
    "tpu.region"() ({
      %run_scoped3A_36 = tpu.sem_alloc : memref<!tpu.dma_semaphore, #tpu.memory_space<semaphore_mem>>
      %dma_start3A = tpu.memref_slice %arg7[%mul3A_18] : memref<10240xf32, #tpu.memory_space<vmem_shared>> -> memref<640xf32, #tpu.memory_space<vmem_shared>>
      %dma_start3A_37 = tpu.memref_slice %arg7[%mul3A_18] : memref<10240xf32, #tpu.memory_space<vmem_shared>> -> memref<640xf32, #tpu.memory_space<vmem_shared>>
      tpu.enqueue_dma source(%arg6 : memref<640xf32, #tpu.memory_space<vmem>>) target(%dma_start3A_37 : memref<640xf32, #tpu.memory_space<vmem_shared>>) target_semaphore(%run_scoped3A_36 : memref<!tpu.dma_semaphore, #tpu.memory_space<semaphore_mem>>)
      %dma_wait3A = tpu.memref_slice %arg7[%mul3A_18] : memref<10240xf32, #tpu.memory_space<vmem_shared>> -> memref<640xf32, #tpu.memory_space<vmem_shared>>
      %dma_wait3A_38 = tpu.memref_slice %arg7[%mul3A_18] : memref<10240xf32, #tpu.memory_space<vmem_shared>> -> memref<640xf32, #tpu.memory_space<vmem_shared>>
      tpu.wait_dma2 semaphore(%run_scoped3A_36 : memref<!tpu.dma_semaphore, #tpu.memory_space<semaphore_mem>>) src(%arg6 : memref<640xf32, #tpu.memory_space<vmem>>) dst(%dma_wait3A_38 : memref<640xf32, #tpu.memory_space<vmem_shared>>)
      tpu.yield
    }) : () -> ()
    %run_scoped3A = arith.constant 0 : i32
    "tpu.region"() ({
      %run_scoped3A_36 = tpu.sem_alloc : memref<!tpu.dma_semaphore, #tpu.memory_space<semaphore_mem>>
      %dma_start3A = arith.constant 0 : i32
      %dma_start3A_37 = arith.constant 0 : i32
      %dma_start3A_38 = tpu.memref_slice %arg2[%run_scoped3A, %add3A, %dma_start3A, %dma_start3A_37] : memref<2x32x80x128xi32, #tpu.memory_space<hbm>> -> memref<1x1x80x128xi32, #tpu.memory_space<hbm>>
      %dma_start3A_39 = tpu.memref_squeeze %dma_start3A_38 : memref<1x1x80x128xi32, #tpu.memory_space<hbm>> -> memref<80x128xi32, #tpu.memory_space<hbm>>
      %dma_start3A_40 = arith.constant 0 : i32
      %dma_start3A_41 = arith.constant 0 : i32
      %dma_start3A_42 = tpu.memref_slice %arg2[%run_scoped3A, %add3A, %dma_start3A_40, %dma_start3A_41] : memref<2x32x80x128xi32, #tpu.memory_space<hbm>> -> memref<1x1x80x128xi32, #tpu.memory_space<hbm>>
      %dma_start3A_43 = tpu.memref_squeeze %dma_start3A_42 : memref<1x1x80x128xi32, #tpu.memory_space<hbm>> -> memref<80x128xi32, #tpu.memory_space<hbm>>
      tpu.enqueue_dma source(%dma_start3A_43 : memref<80x128xi32, #tpu.memory_space<hbm>>) target(%arg4 : memref<80x128xi32, #tpu.memory_space<vmem>>) target_semaphore(%run_scoped3A_36 : memref<!tpu.dma_semaphore, #tpu.memory_space<semaphore_mem>>)
      %dma_wait3A = arith.constant 0 : i32
      %dma_wait3A_44 = arith.constant 0 : i32
      %dma_wait3A_45 = tpu.memref_slice %arg2[%run_scoped3A, %add3A, %dma_wait3A, %dma_wait3A_44] : memref<2x32x80x128xi32, #tpu.memory_space<hbm>> -> memref<1x1x80x128xi32, #tpu.memory_space<hbm>>
      %dma_wait3A_46 = tpu.memref_squeeze %dma_wait3A_45 : memref<1x1x80x128xi32, #tpu.memory_space<hbm>> -> memref<80x128xi32, #tpu.memory_space<hbm>>
      %dma_wait3A_47 = arith.constant 0 : i32
      %dma_wait3A_48 = arith.constant 0 : i32
      %dma_wait3A_49 = tpu.memref_slice %arg2[%run_scoped3A, %add3A, %dma_wait3A_47, %dma_wait3A_48] : memref<2x32x80x128xi32, #tpu.memory_space<hbm>> -> memref<1x1x80x128xi32, #tpu.memory_space<hbm>>
      %dma_wait3A_50 = tpu.memref_squeeze %dma_wait3A_49 : memref<1x1x80x128xi32, #tpu.memory_space<hbm>> -> memref<80x128xi32, #tpu.memory_space<hbm>>
      tpu.wait_dma2 semaphore(%run_scoped3A_36 : memref<!tpu.dma_semaphore, #tpu.memory_space<semaphore_mem>>) src(%dma_wait3A_50 : memref<80x128xi32, #tpu.memory_space<hbm>>) dst(%arg4 : memref<80x128xi32, #tpu.memory_space<vmem>>)
      tpu.yield
    }) : () -> ()
    %barrier3A = arith.constant 0 : index
    tpu.barrier barrier_id(%barrier3A)
    %scan3A_19 = arith.constant 0 : i32
    %scan3A_20 = arith.constant 0 : i32
    %scan3A_21 = arith.constant 16 : i32
    %scan3A_22 = arith.addi %scan3A_20, %scan3A_21 : i32
    %scan3A_23 = arith.constant 1 : i32
    %scan3A_24 = scf.for %scan3A_36 = %scan3A_20 to %scan3A_22 step %scan3A_23 iter_args(%scan3A_37 = %scan3A_19) -> (i32)  : i32 {
      %dma_start3A = arith.constant 0 : i32
      %dma_start3A_38 = tpu.memref_slice %arg5[%dma_start3A] : memref<128xf32, #tpu.memory_space<vmem>> -> memref<128xf32, #tpu.memory_space<vmem>>
      %dma_start3A_39 = arith.constant 0 : i32
      %dma_start3A_40 = tpu.memref_slice %arg4[%scan3A_36, %dma_start3A_39] : memref<80x128xi32, #tpu.memory_space<vmem>> -> memref<1x128xi32, #tpu.memory_space<vmem>>
      %dma_start3A_41 = tpu.memref_squeeze %dma_start3A_40 : memref<1x128xi32, #tpu.memory_space<vmem>> -> memref<128xi32, #tpu.memory_space<vmem>>
      %dma_start3A_42 = arith.constant 0 : i32
      %dma_start3A_43 = tpu.memref_slice %arg7[%dma_start3A_42] : memref<10240xf32, #tpu.memory_space<vmem_shared>> -> memref<10240xf32, #tpu.memory_space<vmem_shared>>
      tpu.enqueue_indirect_dma source(%dma_start3A_38 : memref<128xf32, #tpu.memory_space<vmem>>) target(%dma_start3A_43 : memref<10240xf32, #tpu.memory_space<vmem_shared>>) offsets(%dma_start3A_41 : memref<128xi32, #tpu.memory_space<vmem>>) semaphore(%arg8 : memref<!tpu.dma_semaphore, #tpu.memory_space<semaphore_mem>>) {add = true}
      %scan3A_44 = arith.constant 0 : i32
      scf.yield %scan3A_44 : i32
    }
    %scan3A_25 = arith.constant 16 : i32
    %scan3A_26 = arith.constant 0 : i32
    %scan3A_27 = arith.constant 0 : i32
    %scan3A_28 = arith.constant 80 : i32
    %scan3A_29 = arith.addi %scan3A_27, %scan3A_28 : i32
    %scan3A_30 = arith.constant 1 : i32
    %scan3A_31 = scf.for %scan3A_36 = %scan3A_27 to %scan3A_29 step %scan3A_30 iter_args(%scan3A_37 = %scan3A_26) -> (i32)  : i32 {
      %dma_wait3A = arith.constant 0 : i32
      %dma_wait3A_38 = tpu.memref_slice %arg5[%dma_wait3A] : memref<128xf32, #tpu.memory_space<vmem>> -> memref<128xf32, #tpu.memory_space<vmem>>
      %dma_wait3A_39 = arith.constant 0 : i32
      %dma_wait3A_40 = tpu.memref_slice %arg4[%scan3A_36, %dma_wait3A_39] : memref<80x128xi32, #tpu.memory_space<vmem>> -> memref<1x128xi32, #tpu.memory_space<vmem>>
      %dma_wait3A_41 = tpu.memref_squeeze %dma_wait3A_40 : memref<1x128xi32, #tpu.memory_space<vmem>> -> memref<128xi32, #tpu.memory_space<vmem>>
      %dma_wait3A_42 = arith.constant 0 : i32
      %dma_wait3A_43 = tpu.memref_slice %arg7[%dma_wait3A_42] : memref<10240xf32, #tpu.memory_space<vmem_shared>> -> memref<10240xf32, #tpu.memory_space<vmem_shared>>
      tpu.wait_indirect_dma semaphore(%arg8 : memref<!tpu.dma_semaphore, #tpu.memory_space<semaphore_mem>>) src(%dma_wait3A_38 : memref<128xf32, #tpu.memory_space<vmem>>) dst(%dma_wait3A_43 : memref<10240xf32, #tpu.memory_space<vmem_shared>>)
      %lt3A = arith.constant 64 : i32
      %lt3A_44 = arith.cmpi slt, %scan3A_36, %lt3A : i32
      %convert_element_type3A_45 = arith.extui %lt3A_44 : i1 to i32
      %cond3A_46 = arith.constant 0 : i32
      %cond3A_47 = arith.cmpi ne, %convert_element_type3A_45, %cond3A_46 : i32
      scf.if %cond3A_47 {
        %add3A_49 = arith.constant 16 : i32
        %add3A_50 = arith.addi %scan3A_36, %add3A_49 : i32
        %dma_start3A = arith.constant 0 : i32
        %dma_start3A_51 = tpu.memref_slice %arg5[%dma_start3A] : memref<128xf32, #tpu.memory_space<vmem>> -> memref<128xf32, #tpu.memory_space<vmem>>
        %dma_start3A_52 = arith.constant 0 : i32
        %dma_start3A_53 = tpu.memref_slice %arg4[%add3A_50, %dma_start3A_52] : memref<80x128xi32, #tpu.memory_space<vmem>> -> memref<1x128xi32, #tpu.memory_space<vmem>>
        %dma_start3A_54 = tpu.memref_squeeze %dma_start3A_53 : memref<1x128xi32, #tpu.memory_space<vmem>> -> memref<128xi32, #tpu.memory_space<vmem>>
        %dma_start3A_55 = arith.constant 0 : i32
        %dma_start3A_56 = tpu.memref_slice %arg7[%dma_start3A_55] : memref<10240xf32, #tpu.memory_space<vmem_shared>> -> memref<10240xf32, #tpu.memory_space<vmem_shared>>
        tpu.enqueue_indirect_dma source(%dma_start3A_51 : memref<128xf32, #tpu.memory_space<vmem>>) target(%dma_start3A_56 : memref<10240xf32, #tpu.memory_space<vmem_shared>>) offsets(%dma_start3A_54 : memref<128xi32, #tpu.memory_space<vmem>>) semaphore(%arg8 : memref<!tpu.dma_semaphore, #tpu.memory_space<semaphore_mem>>) {add = true}
      } else {
      }
      %scan3A_48 = arith.constant 0 : i32
      scf.yield %scan3A_48 : i32
    }
    %scan3A_32 = arith.constant 80 : i32
    %barrier3A_33 = arith.constant 0 : index
    tpu.barrier barrier_id(%barrier3A_33)
    %eq3A = arith.constant 0 : i32
    %eq3A_34 = arith.cmpi eq, %arg1, %eq3A : i32
    %convert_element_type3A = arith.extui %eq3A_34 : i1 to i32
    %cond3A = arith.constant 0 : i32
    %cond3A_35 = arith.cmpi ne, %convert_element_type3A, %cond3A : i32
    scf.if %cond3A_35 {
      "tpu.region"() ({
        %run_scoped3A_36 = tpu.sem_alloc : memref<!tpu.dma_semaphore, #tpu.memory_space<semaphore_mem>>
        %dma_start3A = arith.constant 0 : i32
        %dma_start3A_37 = tpu.memref_slice %arg3[%arg0, %dma_start3A] : memref<2x10240xf32, #tpu.memory_space<hbm>> -> memref<1x10240xf32, #tpu.memory_space<hbm>>
        %dma_start3A_38 = tpu.memref_squeeze %dma_start3A_37 : memref<1x10240xf32, #tpu.memory_space<hbm>> -> memref<10240xf32, #tpu.memory_space<hbm>>
        tpu.enqueue_dma source(%arg7 : memref<10240xf32, #tpu.memory_space<vmem_shared>>) target(%dma_start3A_38 : memref<10240xf32, #tpu.memory_space<hbm>>) target_semaphore(%run_scoped3A_36 : memref<!tpu.dma_semaphore, #tpu.memory_space<semaphore_mem>>)
        %dma_wait3A = arith.constant 0 : i32
        %dma_wait3A_39 = tpu.memref_slice %arg3[%arg0, %dma_wait3A] : memref<2x10240xf32, #tpu.memory_space<hbm>> -> memref<1x10240xf32, #tpu.memory_space<hbm>>
        %dma_wait3A_40 = tpu.memref_squeeze %dma_wait3A_39 : memref<1x10240xf32, #tpu.memory_space<hbm>> -> memref<10240xf32, #tpu.memory_space<hbm>>
        tpu.wait_dma2 semaphore(%run_scoped3A_36 : memref<!tpu.dma_semaphore, #tpu.memory_space<semaphore_mem>>) src(%arg7 : memref<10240xf32, #tpu.memory_space<vmem_shared>>) dst(%dma_wait3A_40 : memref<10240xf32, #tpu.memory_space<hbm>>)
        tpu.yield
      }) : () -> ()
    } else {
    }
    return
  }
}

#map = affine_map<(d0, d1) -> (0, 0, 0, 0)>
#map1 = affine_map<(d0, d1) -> (0, 0)>
#map2 = affine_map<(d0, d1) -> (0, 0, 0)>
module attributes {stable_mosaic.version = 14 : i64} {
  func.func @_spmm(%arg0: i32, %arg1: i32, %arg2: memref<2x32x80x128xi32, #tpu.memory_space<hbm>>, %arg3: memref<10000x128xf32, #tpu.memory_space<hbm>>, %arg4: memref<2x10000x128xf32, #tpu.memory_space<hbm>>, %arg5: memref<80x128xi32, #tpu.memory_space<vmem>>, %arg6: memref<8x128xi32, #tpu.memory_space<vmem>>, %arg7: memref<8x128xi32, #tpu.memory_space<vmem>>, %arg8: memref<128x128xf32, #tpu.memory_space<vmem>>, %arg9: memref<128x128xf32, #tpu.memory_space<vmem>>, %arg10: memref<!tpu.dma_semaphore, #tpu.memory_space<semaphore_mem>>, %arg11: memref<!tpu.dma_semaphore, #tpu.memory_space<semaphore_mem>>, %arg12: memref<!tpu.dma_semaphore, #tpu.memory_space<semaphore_mem>>, %arg13: memref<!tpu.dma_semaphore, #tpu.memory_space<semaphore_mem>>, %arg14: memref<!tpu.dma_semaphore, #tpu.memory_space<semaphore_mem>>, %arg15: memref<!tpu.dma_semaphore, #tpu.memory_space<semaphore_mem>>, %arg16: memref<!tpu.dma_semaphore, #tpu.memory_space<semaphore_mem>>, %arg17: memref<10080x128xf32, #tpu.memory_space<vmem_shared>>) attributes {dimension_semantics = [#tpu.dimension_semantics<core_parallel>, #tpu.dimension_semantics<subcore_parallel>], iteration_bounds = array<i64: 2, 16>, scalar_prefetch = 0 : i64, scratch_operands = 13 : i64, tpu.core_type = #tpu.core_type<sc_vector_subcore>, window_params = [{transform_indices = #map}, {transform_indices = #map1}, {transform_indices = #map2}]} {
    %mul3A = arith.constant 2 : i32
    %mul3A_0 = arith.muli %arg1, %mul3A : i32
    %add3A = arith.addi %mul3A_0, %arg0 : i32
    %dma_start3A = arith.constant 1 : i32
    %dma_start3A_1 = arith.constant 0 : i32
    %dma_start3A_2 = arith.constant 0 : i32
    %dma_start3A_3 = tpu.memref_slice %arg2[%dma_start3A, %add3A, %dma_start3A_1, %dma_start3A_2] : memref<2x32x80x128xi32, #tpu.memory_space<hbm>> -> memref<1x1x80x128xi32, #tpu.memory_space<hbm>>
    %dma_start3A_4 = tpu.memref_squeeze %dma_start3A_3 : memref<1x1x80x128xi32, #tpu.memory_space<hbm>> -> memref<80x128xi32, #tpu.memory_space<hbm>>
    %dma_start3A_5 = arith.constant 0 : i32
    %dma_start3A_6 = arith.constant 0 : i32
    %dma_start3A_7 = tpu.memref_slice %arg2[%dma_start3A, %add3A, %dma_start3A_5, %dma_start3A_6] : memref<2x32x80x128xi32, #tpu.memory_space<hbm>> -> memref<1x1x80x128xi32, #tpu.memory_space<hbm>>
    %dma_start3A_8 = tpu.memref_squeeze %dma_start3A_7 : memref<1x1x80x128xi32, #tpu.memory_space<hbm>> -> memref<80x128xi32, #tpu.memory_space<hbm>>
    tpu.enqueue_dma source(%dma_start3A_8 : memref<80x128xi32, #tpu.memory_space<hbm>>) target(%arg5 : memref<80x128xi32, #tpu.memory_space<vmem>>) target_semaphore(%arg16 : memref<!tpu.dma_semaphore, #tpu.memory_space<semaphore_mem>>)
    %multiple_of3A = arith.constant 0 : i32
    %multiple_of3A_9 = tpu.assume_multiple %multiple_of3A, 8 : i32
    %dma_start3A_10 = arith.constant 0 : i32
    %dma_start3A_11 = arith.constant 0 : i32
    %dma_start3A_12 = tpu.memref_slice %arg2[%dma_start3A_10, %add3A, %multiple_of3A_9, %dma_start3A_11] : memref<2x32x80x128xi32, #tpu.memory_space<hbm>> -> memref<1x1x8x128xi32, #tpu.memory_space<hbm>>
    %dma_start3A_13 = tpu.memref_squeeze %dma_start3A_12 : memref<1x1x8x128xi32, #tpu.memory_space<hbm>> -> memref<8x128xi32, #tpu.memory_space<hbm>>
    %dma_start3A_14 = arith.constant 0 : i32
    %dma_start3A_15 = tpu.memref_slice %arg2[%dma_start3A_10, %add3A, %multiple_of3A_9, %dma_start3A_14] : memref<2x32x80x128xi32, #tpu.memory_space<hbm>> -> memref<1x1x8x128xi32, #tpu.memory_space<hbm>>
    %dma_start3A_16 = tpu.memref_squeeze %dma_start3A_15 : memref<1x1x8x128xi32, #tpu.memory_space<hbm>> -> memref<8x128xi32, #tpu.memory_space<hbm>>
    tpu.enqueue_dma source(%dma_start3A_16 : memref<8x128xi32, #tpu.memory_space<hbm>>) target(%arg6 : memref<8x128xi32, #tpu.memory_space<vmem>>) target_semaphore(%arg14 : memref<!tpu.dma_semaphore, #tpu.memory_space<semaphore_mem>>)
    %multiple_of3A_17 = arith.constant 8 : i32
    %multiple_of3A_18 = tpu.assume_multiple %multiple_of3A_17, 8 : i32
    %dma_start3A_19 = arith.constant 0 : i32
    %dma_start3A_20 = arith.constant 0 : i32
    %dma_start3A_21 = tpu.memref_slice %arg2[%dma_start3A_19, %add3A, %multiple_of3A_18, %dma_start3A_20] : memref<2x32x80x128xi32, #tpu.memory_space<hbm>> -> memref<1x1x8x128xi32, #tpu.memory_space<hbm>>
    %dma_start3A_22 = tpu.memref_squeeze %dma_start3A_21 : memref<1x1x8x128xi32, #tpu.memory_space<hbm>> -> memref<8x128xi32, #tpu.memory_space<hbm>>
    %dma_start3A_23 = arith.constant 0 : i32
    %dma_start3A_24 = tpu.memref_slice %arg2[%dma_start3A_19, %add3A, %multiple_of3A_18, %dma_start3A_23] : memref<2x32x80x128xi32, #tpu.memory_space<hbm>> -> memref<1x1x8x128xi32, #tpu.memory_space<hbm>>
    %dma_start3A_25 = tpu.memref_squeeze %dma_start3A_24 : memref<1x1x8x128xi32, #tpu.memory_space<hbm>> -> memref<8x128xi32, #tpu.memory_space<hbm>>
    tpu.enqueue_dma source(%dma_start3A_25 : memref<8x128xi32, #tpu.memory_space<hbm>>) target(%arg7 : memref<8x128xi32, #tpu.memory_space<vmem>>) target_semaphore(%arg15 : memref<!tpu.dma_semaphore, #tpu.memory_space<semaphore_mem>>)
    %mul3A_26 = arith.constant 625 : i32
    %mul3A_27 = arith.muli %arg1, %mul3A_26 : i32
    %eq3A = arith.constant 0 : i32
    %eq3A_28 = arith.cmpi eq, %arg0, %eq3A : i32
    %convert_element_type3A = arith.extui %eq3A_28 : i1 to i32
    %cond3A = arith.constant 0 : i32
    %cond3A_29 = arith.cmpi ne, %convert_element_type3A, %cond3A : i32
    scf.if %cond3A_29 {
      %lt3A_73 = arith.constant 15 : i32
      %lt3A_74 = arith.cmpi slt, %arg1, %lt3A_73 : i32
      %convert_element_type3A_75 = arith.extui %lt3A_74 : i1 to i32
      %cond3A_76 = arith.constant 0 : i32
      %cond3A_77 = arith.cmpi ne, %convert_element_type3A_75, %cond3A_76 : i32
      scf.if %cond3A_77 {
        %mul3A_83 = arith.constant 624 : i32
        %mul3A_84 = arith.muli %arg1, %mul3A_83 : i32
        "tpu.region"() ({
          %run_scoped3A = tpu.sem_alloc : memref<!tpu.dma_semaphore, #tpu.memory_space<semaphore_mem>>
          %dma_start3A_85 = arith.constant 0 : i32
          %dma_start3A_86 = tpu.memref_slice %arg17[%mul3A_84, %dma_start3A_85] : memref<10080x128xf32, #tpu.memory_space<vmem_shared>> -> memref<624x128xf32, #tpu.memory_space<vmem_shared>>
          %dma_start3A_87 = arith.constant 0 : i32
          %dma_start3A_88 = tpu.memref_slice %arg3[%mul3A_84, %dma_start3A_87] : memref<10000x128xf32, #tpu.memory_space<hbm>> -> memref<624x128xf32, #tpu.memory_space<hbm>>
          tpu.enqueue_dma source(%dma_start3A_88 : memref<624x128xf32, #tpu.memory_space<hbm>>) target(%dma_start3A_86 : memref<624x128xf32, #tpu.memory_space<vmem_shared>>) target_semaphore(%run_scoped3A : memref<!tpu.dma_semaphore, #tpu.memory_space<semaphore_mem>>)
          %dma_wait3A_89 = arith.constant 0 : i32
          %dma_wait3A_90 = tpu.memref_slice %arg17[%mul3A_84, %dma_wait3A_89] : memref<10080x128xf32, #tpu.memory_space<vmem_shared>> -> memref<624x128xf32, #tpu.memory_space<vmem_shared>>
          %dma_wait3A_91 = arith.constant 0 : i32
          %dma_wait3A_92 = tpu.memref_slice %arg3[%mul3A_84, %dma_wait3A_91] : memref<10000x128xf32, #tpu.memory_space<hbm>> -> memref<624x128xf32, #tpu.memory_space<hbm>>
          tpu.wait_dma2 semaphore(%run_scoped3A : memref<!tpu.dma_semaphore, #tpu.memory_space<semaphore_mem>>) src(%dma_wait3A_92 : memref<624x128xf32, #tpu.memory_space<hbm>>) dst(%dma_wait3A_90 : memref<624x128xf32, #tpu.memory_space<vmem_shared>>)
          tpu.yield
        }) : () -> ()
      } else {
      }
      %eq3A_78 = arith.constant 15 : i32
      %eq3A_79 = arith.cmpi eq, %arg1, %eq3A_78 : i32
      %convert_element_type3A_80 = arith.extui %eq3A_79 : i1 to i32
      %cond3A_81 = arith.constant 0 : i32
      %cond3A_82 = arith.cmpi ne, %convert_element_type3A_80, %cond3A_81 : i32
      scf.if %cond3A_82 {
        "tpu.region"() ({
          %run_scoped3A = tpu.sem_alloc : memref<!tpu.dma_semaphore, #tpu.memory_space<semaphore_mem>>
          %dma_start3A_83 = arith.constant 9360 : i32
          %dma_start3A_84 = arith.constant 0 : i32
          %dma_start3A_85 = tpu.memref_slice %arg17[%dma_start3A_83, %dma_start3A_84] : memref<10080x128xf32, #tpu.memory_space<vmem_shared>> -> memref<640x128xf32, #tpu.memory_space<vmem_shared>>
          %dma_start3A_86 = arith.constant 9360 : i32
          %dma_start3A_87 = arith.constant 0 : i32
          %dma_start3A_88 = tpu.memref_slice %arg3[%dma_start3A_86, %dma_start3A_87] : memref<10000x128xf32, #tpu.memory_space<hbm>> -> memref<640x128xf32, #tpu.memory_space<hbm>>
          tpu.enqueue_dma source(%dma_start3A_88 : memref<640x128xf32, #tpu.memory_space<hbm>>) target(%dma_start3A_85 : memref<640x128xf32, #tpu.memory_space<vmem_shared>>) target_semaphore(%run_scoped3A : memref<!tpu.dma_semaphore, #tpu.memory_space<semaphore_mem>>)
          %dma_wait3A_89 = arith.constant 9360 : i32
          %dma_wait3A_90 = arith.constant 0 : i32
          %dma_wait3A_91 = tpu.memref_slice %arg17[%dma_wait3A_89, %dma_wait3A_90] : memref<10080x128xf32, #tpu.memory_space<vmem_shared>> -> memref<640x128xf32, #tpu.memory_space<vmem_shared>>
          %dma_wait3A_92 = arith.constant 9360 : i32
          %dma_wait3A_93 = arith.constant 0 : i32
          %dma_wait3A_94 = tpu.memref_slice %arg3[%dma_wait3A_92, %dma_wait3A_93] : memref<10000x128xf32, #tpu.memory_space<hbm>> -> memref<640x128xf32, #tpu.memory_space<hbm>>
          tpu.wait_dma2 semaphore(%run_scoped3A : memref<!tpu.dma_semaphore, #tpu.memory_space<semaphore_mem>>) src(%dma_wait3A_94 : memref<640x128xf32, #tpu.memory_space<hbm>>) dst(%dma_wait3A_91 : memref<640x128xf32, #tpu.memory_space<vmem_shared>>)
          tpu.yield
        }) : () -> ()
      } else {
      }
    } else {
    }
    %eq3A_30 = arith.constant 1 : i32
    %eq3A_31 = arith.cmpi eq, %arg0, %eq3A_30 : i32
    %convert_element_type3A_32 = arith.extui %eq3A_31 : i1 to i32
    %cond3A_33 = arith.constant 0 : i32
    %cond3A_34 = arith.cmpi ne, %convert_element_type3A_32, %cond3A_33 : i32
    scf.if %cond3A_34 {
      %scan3A_73 = arith.constant 0 : i32
      %scan3A_74 = arith.constant 0 : i32
      %scan3A_75 = arith.constant 128 : i32
      %scan3A_76 = arith.addi %scan3A_74, %scan3A_75 : i32
      %scan3A_77 = arith.constant 1 : i32
      %scan3A_78 = scf.for %scan3A_90 = %scan3A_74 to %scan3A_76 step %scan3A_77 iter_args(%scan3A_91 = %scan3A_73) -> (i32)  : i32 {
        %scan3A_92 = arith.constant 0 : i32
        %scan3A_93 = arith.constant 0 : i32
        %scan3A_94 = arith.constant 8 : i32
        %scan3A_95 = arith.addi %scan3A_93, %scan3A_94 : i32
        %scan3A_96 = arith.constant 1 : i32
        %scan3A_97 = scf.for %scan3A_100 = %scan3A_93 to %scan3A_95 step %scan3A_96 iter_args(%scan3A_101 = %scan3A_92) -> (i32)  : i32 {
          %broadcast_in_dim3A = arith.constant 0.000000e+00 : f32
          %broadcast_in_dim3A_102 = vector.broadcast %broadcast_in_dim3A : f32 to vector<16xf32>
          %mul3A_103 = arith.constant 16 : i32
          %mul3A_104 = arith.muli %scan3A_100, %mul3A_103 : i32
          %swap3A = arith.index_cast %scan3A_90 : i32 to index
          %swap3A_105 = arith.index_cast %mul3A_104 : i32 to index
          %swap3A_106 = tpu.vector_load %arg8[%swap3A, %swap3A_105] {strides = array<i32>} : memref<128x128xf32, #tpu.memory_space<vmem>>, vector<1x16xf32>,
          %swap3A_107 = vector.shape_cast %swap3A_106 : vector<1x16xf32> to vector<16xf32>
          %swap3A_108 = vector.shape_cast %broadcast_in_dim3A_102 : vector<16xf32> to vector<1x16xf32>
          tpu.vector_store %arg8[%swap3A, %swap3A_105], %swap3A_108 {strides = array<i32>} : memref<128x128xf32, #tpu.memory_space<vmem>>, vector<1x16xf32>,
          %scan3A_109 = arith.constant 0 : i32
          scf.yield %scan3A_109 : i32
        }
        %scan3A_98 = arith.constant 8 : i32
        %scan3A_99 = arith.constant 0 : i32
        scf.yield %scan3A_99 : i32
      }
      %scan3A_79 = arith.constant 128 : i32
      %add3A_80 = arith.constant 0 : i32
      %add3A_81 = arith.addi %mul3A_27, %add3A_80 : i32
      "tpu.region"() ({
        %run_scoped3A = tpu.sem_alloc : memref<!tpu.dma_semaphore, #tpu.memory_space<semaphore_mem>>
        %dma_start3A_90 = arith.constant 0 : i32
        %dma_start3A_91 = tpu.memref_slice %arg17[%add3A_81, %dma_start3A_90] : memref<10080x128xf32, #tpu.memory_space<vmem_shared>> -> memref<128x128xf32, #tpu.memory_space<vmem_shared>>
        %dma_start3A_92 = arith.constant 0 : i32
        %dma_start3A_93 = tpu.memref_slice %arg17[%add3A_81, %dma_start3A_92] : memref<10080x128xf32, #tpu.memory_space<vmem_shared>> -> memref<128x128xf32, #tpu.memory_space<vmem_shared>>
        tpu.enqueue_dma source(%arg8 : memref<128x128xf32, #tpu.memory_space<vmem>>) target(%dma_start3A_93 : memref<128x128xf32, #tpu.memory_space<vmem_shared>>) target_semaphore(%run_scoped3A : memref<!tpu.dma_semaphore, #tpu.memory_space<semaphore_mem>>)
        %dma_wait3A_94 = arith.constant 0 : i32
        %dma_wait3A_95 = tpu.memref_slice %arg17[%add3A_81, %dma_wait3A_94] : memref<10080x128xf32, #tpu.memory_space<vmem_shared>> -> memref<128x128xf32, #tpu.memory_space<vmem_shared>>
        %dma_wait3A_96 = arith.constant 0 : i32
        %dma_wait3A_97 = tpu.memref_slice %arg17[%add3A_81, %dma_wait3A_96] : memref<10080x128xf32, #tpu.memory_space<vmem_shared>> -> memref<128x128xf32, #tpu.memory_space<vmem_shared>>
        tpu.wait_dma2 semaphore(%run_scoped3A : memref<!tpu.dma_semaphore, #tpu.memory_space<semaphore_mem>>) src(%arg8 : memref<128x128xf32, #tpu.memory_space<vmem>>) dst(%dma_wait3A_97 : memref<128x128xf32, #tpu.memory_space<vmem_shared>>)
        tpu.yield
      }) : () -> ()
      %add3A_82 = arith.constant 128 : i32
      %add3A_83 = arith.addi %mul3A_27, %add3A_82 : i32
      "tpu.region"() ({
        %run_scoped3A = tpu.sem_alloc : memref<!tpu.dma_semaphore, #tpu.memory_space<semaphore_mem>>
        %dma_start3A_90 = arith.constant 0 : i32
        %dma_start3A_91 = tpu.memref_slice %arg17[%add3A_83, %dma_start3A_90] : memref<10080x128xf32, #tpu.memory_space<vmem_shared>> -> memref<128x128xf32, #tpu.memory_space<vmem_shared>>
        %dma_start3A_92 = arith.constant 0 : i32
        %dma_start3A_93 = tpu.memref_slice %arg17[%add3A_83, %dma_start3A_92] : memref<10080x128xf32, #tpu.memory_space<vmem_shared>> -> memref<128x128xf32, #tpu.memory_space<vmem_shared>>
        tpu.enqueue_dma source(%arg8 : memref<128x128xf32, #tpu.memory_space<vmem>>) target(%dma_start3A_93 : memref<128x128xf32, #tpu.memory_space<vmem_shared>>) target_semaphore(%run_scoped3A : memref<!tpu.dma_semaphore, #tpu.memory_space<semaphore_mem>>)
        %dma_wait3A_94 = arith.constant 0 : i32
        %dma_wait3A_95 = tpu.memref_slice %arg17[%add3A_83, %dma_wait3A_94] : memref<10080x128xf32, #tpu.memory_space<vmem_shared>> -> memref<128x128xf32, #tpu.memory_space<vmem_shared>>
        %dma_wait3A_96 = arith.constant 0 : i32
        %dma_wait3A_97 = tpu.memref_slice %arg17[%add3A_83, %dma_wait3A_96] : memref<10080x128xf32, #tpu.memory_space<vmem_shared>> -> memref<128x128xf32, #tpu.memory_space<vmem_shared>>
        tpu.wait_dma2 semaphore(%run_scoped3A : memref<!tpu.dma_semaphore, #tpu.memory_space<semaphore_mem>>) src(%arg8 : memref<128x128xf32, #tpu.memory_space<vmem>>) dst(%dma_wait3A_97 : memref<128x128xf32, #tpu.memory_space<vmem_shared>>)
        tpu.yield
      }) : () -> ()
      %add3A_84 = arith.constant 256 : i32
      %add3A_85 = arith.addi %mul3A_27, %add3A_84 : i32
      "tpu.region"() ({
        %run_scoped3A = tpu.sem_alloc : memref<!tpu.dma_semaphore, #tpu.memory_space<semaphore_mem>>
        %dma_start3A_90 = arith.constant 0 : i32
        %dma_start3A_91 = tpu.memref_slice %arg17[%add3A_85, %dma_start3A_90] : memref<10080x128xf32, #tpu.memory_space<vmem_shared>> -> memref<128x128xf32, #tpu.memory_space<vmem_shared>>
        %dma_start3A_92 = arith.constant 0 : i32
        %dma_start3A_93 = tpu.memref_slice %arg17[%add3A_85, %dma_start3A_92] : memref<10080x128xf32, #tpu.memory_space<vmem_shared>> -> memref<128x128xf32, #tpu.memory_space<vmem_shared>>
        tpu.enqueue_dma source(%arg8 : memref<128x128xf32, #tpu.memory_space<vmem>>) target(%dma_start3A_93 : memref<128x128xf32, #tpu.memory_space<vmem_shared>>) target_semaphore(%run_scoped3A : memref<!tpu.dma_semaphore, #tpu.memory_space<semaphore_mem>>)
        %dma_wait3A_94 = arith.constant 0 : i32
        %dma_wait3A_95 = tpu.memref_slice %arg17[%add3A_85, %dma_wait3A_94] : memref<10080x128xf32, #tpu.memory_space<vmem_shared>> -> memref<128x128xf32, #tpu.memory_space<vmem_shared>>
        %dma_wait3A_96 = arith.constant 0 : i32
        %dma_wait3A_97 = tpu.memref_slice %arg17[%add3A_85, %dma_wait3A_96] : memref<10080x128xf32, #tpu.memory_space<vmem_shared>> -> memref<128x128xf32, #tpu.memory_space<vmem_shared>>
        tpu.wait_dma2 semaphore(%run_scoped3A : memref<!tpu.dma_semaphore, #tpu.memory_space<semaphore_mem>>) src(%arg8 : memref<128x128xf32, #tpu.memory_space<vmem>>) dst(%dma_wait3A_97 : memref<128x128xf32, #tpu.memory_space<vmem_shared>>)
        tpu.yield
      }) : () -> ()
      %add3A_86 = arith.constant 384 : i32
      %add3A_87 = arith.addi %mul3A_27, %add3A_86 : i32
      "tpu.region"() ({
        %run_scoped3A = tpu.sem_alloc : memref<!tpu.dma_semaphore, #tpu.memory_space<semaphore_mem>>
        %dma_start3A_90 = arith.constant 0 : i32
        %dma_start3A_91 = tpu.memref_slice %arg17[%add3A_87, %dma_start3A_90] : memref<10080x128xf32, #tpu.memory_space<vmem_shared>> -> memref<128x128xf32, #tpu.memory_space<vmem_shared>>
        %dma_start3A_92 = arith.constant 0 : i32
        %dma_start3A_93 = tpu.memref_slice %arg17[%add3A_87, %dma_start3A_92] : memref<10080x128xf32, #tpu.memory_space<vmem_shared>> -> memref<128x128xf32, #tpu.memory_space<vmem_shared>>
        tpu.enqueue_dma source(%arg8 : memref<128x128xf32, #tpu.memory_space<vmem>>) target(%dma_start3A_93 : memref<128x128xf32, #tpu.memory_space<vmem_shared>>) target_semaphore(%run_scoped3A : memref<!tpu.dma_semaphore, #tpu.memory_space<semaphore_mem>>)
        %dma_wait3A_94 = arith.constant 0 : i32
        %dma_wait3A_95 = tpu.memref_slice %arg17[%add3A_87, %dma_wait3A_94] : memref<10080x128xf32, #tpu.memory_space<vmem_shared>> -> memref<128x128xf32, #tpu.memory_space<vmem_shared>>
        %dma_wait3A_96 = arith.constant 0 : i32
        %dma_wait3A_97 = tpu.memref_slice %arg17[%add3A_87, %dma_wait3A_96] : memref<10080x128xf32, #tpu.memory_space<vmem_shared>> -> memref<128x128xf32, #tpu.memory_space<vmem_shared>>
        tpu.wait_dma2 semaphore(%run_scoped3A : memref<!tpu.dma_semaphore, #tpu.memory_space<semaphore_mem>>) src(%arg8 : memref<128x128xf32, #tpu.memory_space<vmem>>) dst(%dma_wait3A_97 : memref<128x128xf32, #tpu.memory_space<vmem_shared>>)
        tpu.yield
      }) : () -> ()
      %add3A_88 = arith.constant 512 : i32
      %add3A_89 = arith.addi %mul3A_27, %add3A_88 : i32
      "tpu.region"() ({
        %run_scoped3A = tpu.sem_alloc : memref<!tpu.dma_semaphore, #tpu.memory_space<semaphore_mem>>
        %dma_start3A_90 = arith.constant 0 : i32
        %dma_start3A_91 = tpu.memref_slice %arg17[%add3A_89, %dma_start3A_90] : memref<10080x128xf32, #tpu.memory_space<vmem_shared>> -> memref<128x128xf32, #tpu.memory_space<vmem_shared>>
        %dma_start3A_92 = arith.constant 0 : i32
        %dma_start3A_93 = tpu.memref_slice %arg17[%add3A_89, %dma_start3A_92] : memref<10080x128xf32, #tpu.memory_space<vmem_shared>> -> memref<128x128xf32, #tpu.memory_space<vmem_shared>>
        tpu.enqueue_dma source(%arg8 : memref<128x128xf32, #tpu.memory_space<vmem>>) target(%dma_start3A_93 : memref<128x128xf32, #tpu.memory_space<vmem_shared>>) target_semaphore(%run_scoped3A : memref<!tpu.dma_semaphore, #tpu.memory_space<semaphore_mem>>)
        %dma_wait3A_94 = arith.constant 0 : i32
        %dma_wait3A_95 = tpu.memref_slice %arg17[%add3A_89, %dma_wait3A_94] : memref<10080x128xf32, #tpu.memory_space<vmem_shared>> -> memref<128x128xf32, #tpu.memory_space<vmem_shared>>
        %dma_wait3A_96 = arith.constant 0 : i32
        %dma_wait3A_97 = tpu.memref_slice %arg17[%add3A_89, %dma_wait3A_96] : memref<10080x128xf32, #tpu.memory_space<vmem_shared>> -> memref<128x128xf32, #tpu.memory_space<vmem_shared>>
        tpu.wait_dma2 semaphore(%run_scoped3A : memref<!tpu.dma_semaphore, #tpu.memory_space<semaphore_mem>>) src(%arg8 : memref<128x128xf32, #tpu.memory_space<vmem>>) dst(%dma_wait3A_97 : memref<128x128xf32, #tpu.memory_space<vmem_shared>>)
        tpu.yield
      }) : () -> ()
    } else {
    }
    %dma_wait3A = arith.constant 1 : i32
    %dma_wait3A_35 = arith.constant 0 : i32
    %dma_wait3A_36 = arith.constant 0 : i32
    %dma_wait3A_37 = tpu.memref_slice %arg2[%dma_wait3A, %add3A, %dma_wait3A_35, %dma_wait3A_36] : memref<2x32x80x128xi32, #tpu.memory_space<hbm>> -> memref<1x1x80x128xi32, #tpu.memory_space<hbm>>
    %dma_wait3A_38 = tpu.memref_squeeze %dma_wait3A_37 : memref<1x1x80x128xi32, #tpu.memory_space<hbm>> -> memref<80x128xi32, #tpu.memory_space<hbm>>
    %dma_wait3A_39 = arith.constant 0 : i32
    %dma_wait3A_40 = arith.constant 0 : i32
    %dma_wait3A_41 = tpu.memref_slice %arg2[%dma_wait3A, %add3A, %dma_wait3A_39, %dma_wait3A_40] : memref<2x32x80x128xi32, #tpu.memory_space<hbm>> -> memref<1x1x80x128xi32, #tpu.memory_space<hbm>>
    %dma_wait3A_42 = tpu.memref_squeeze %dma_wait3A_41 : memref<1x1x80x128xi32, #tpu.memory_space<hbm>> -> memref<80x128xi32, #tpu.memory_space<hbm>>
    tpu.wait_dma2 semaphore(%arg16 : memref<!tpu.dma_semaphore, #tpu.memory_space<semaphore_mem>>) src(%dma_wait3A_42 : memref<80x128xi32, #tpu.memory_space<hbm>>) dst(%arg5 : memref<80x128xi32, #tpu.memory_space<vmem>>)
    %barrier3A = arith.constant 0 : index
    tpu.barrier barrier_id(%barrier3A)
    %dma_start3A_43 = arith.constant 0 : i32
    %dma_start3A_44 = arith.constant 0 : i32
    %dma_start3A_45 = tpu.memref_slice %arg5[%dma_start3A_43, %dma_start3A_44] : memref<80x128xi32, #tpu.memory_space<vmem>> -> memref<1x128xi32, #tpu.memory_space<vmem>>
    %dma_start3A_46 = tpu.memref_squeeze %dma_start3A_45 : memref<1x128xi32, #tpu.memory_space<vmem>> -> memref<128xi32, #tpu.memory_space<vmem>>
    %dma_start3A_47 = arith.constant 0 : i32
    %dma_start3A_48 = arith.constant 0 : i32
    %dma_start3A_49 = tpu.memref_slice %arg3[%dma_start3A_47, %dma_start3A_48] : memref<10000x128xf32, #tpu.memory_space<hbm>> -> memref<10000x128xf32, #tpu.memory_space<hbm>>
    tpu.enqueue_indirect_dma source(%dma_start3A_49 : memref<10000x128xf32, #tpu.memory_space<hbm>>) target(%arg8 : memref<128x128xf32, #tpu.memory_space<vmem>>) offsets(%dma_start3A_46 : memref<128xi32, #tpu.memory_space<vmem>>) semaphore(%arg10 : memref<!tpu.dma_semaphore, #tpu.memory_space<semaphore_mem>>)
    %dma_start3A_50 = arith.constant 1 : i32
    %dma_start3A_51 = arith.constant 0 : i32
    %dma_start3A_52 = tpu.memref_slice %arg5[%dma_start3A_50, %dma_start3A_51] : memref<80x128xi32, #tpu.memory_space<vmem>> -> memref<1x128xi32, #tpu.memory_space<vmem>>
    %dma_start3A_53 = tpu.memref_squeeze %dma_start3A_52 : memref<1x128xi32, #tpu.memory_space<vmem>> -> memref<128xi32, #tpu.memory_space<vmem>>
    %dma_start3A_54 = arith.constant 0 : i32
    %dma_start3A_55 = arith.constant 0 : i32
    %dma_start3A_56 = tpu.memref_slice %arg3[%dma_start3A_54, %dma_start3A_55] : memref<10000x128xf32, #tpu.memory_space<hbm>> -> memref<10000x128xf32, #tpu.memory_space<hbm>>
    tpu.enqueue_indirect_dma source(%dma_start3A_56 : memref<10000x128xf32, #tpu.memory_space<hbm>>) target(%arg9 : memref<128x128xf32, #tpu.memory_space<vmem>>) offsets(%dma_start3A_53 : memref<128xi32, #tpu.memory_space<vmem>>) semaphore(%arg11 : memref<!tpu.dma_semaphore, #tpu.memory_space<semaphore_mem>>)
    %scan3A = arith.constant 0 : i32
    %scan3A_57 = arith.constant 0 : i32
    %scan3A_58 = arith.constant 5 : i32
    %scan3A_59 = arith.addi %scan3A_57, %scan3A_58 : i32
    %scan3A_60 = arith.constant 1 : i32
    %scan3A_61 = scf.for %scan3A_73 = %scan3A_57 to %scan3A_59 step %scan3A_60 iter_args(%scan3A_74 = %scan3A) -> (i32)  : i32 {
      %mul3A_75 = arith.constant 2 : i32
      %mul3A_76 = arith.muli %mul3A_75, %scan3A_73 : i32
      %mul3A_77 = arith.constant 8 : i32
      %mul3A_78 = arith.muli %mul3A_76, %mul3A_77 : i32
      %multiple_of3A_79 = tpu.assume_multiple %mul3A_78, 8 : i32
      %dma_wait3A_80 = arith.constant 0 : i32
      %dma_wait3A_81 = arith.constant 0 : i32
      %dma_wait3A_82 = tpu.memref_slice %arg2[%dma_wait3A_80, %add3A, %multiple_of3A_79, %dma_wait3A_81] : memref<2x32x80x128xi32, #tpu.memory_space<hbm>> -> memref<1x1x8x128xi32, #tpu.memory_space<hbm>>
      %dma_wait3A_83 = tpu.memref_squeeze %dma_wait3A_82 : memref<1x1x8x128xi32, #tpu.memory_space<hbm>> -> memref<8x128xi32, #tpu.memory_space<hbm>>
      %dma_wait3A_84 = arith.constant 0 : i32
      %dma_wait3A_85 = tpu.memref_slice %arg2[%dma_wait3A_80, %add3A, %multiple_of3A_79, %dma_wait3A_84] : memref<2x32x80x128xi32, #tpu.memory_space<hbm>> -> memref<1x1x8x128xi32, #tpu.memory_space<hbm>>
      %dma_wait3A_86 = tpu.memref_squeeze %dma_wait3A_85 : memref<1x1x8x128xi32, #tpu.memory_space<hbm>> -> memref<8x128xi32, #tpu.memory_space<hbm>>
      tpu.wait_dma2 semaphore(%arg14 : memref<!tpu.dma_semaphore, #tpu.memory_space<semaphore_mem>>) src(%dma_wait3A_86 : memref<8x128xi32, #tpu.memory_space<hbm>>) dst(%arg6 : memref<8x128xi32, #tpu.memory_space<vmem>>)
      %mul3A_87 = arith.constant 8 : i32
      %mul3A_88 = arith.muli %mul3A_76, %mul3A_87 : i32
      %add3A_89 = arith.constant 0 : i32
      %add3A_90 = arith.addi %mul3A_88, %add3A_89 : i32
      %dma_wait3A_91 = arith.constant 0 : i32
      %dma_wait3A_92 = tpu.memref_slice %arg5[%add3A_90, %dma_wait3A_91] : memref<80x128xi32, #tpu.memory_space<vmem>> -> memref<1x128xi32, #tpu.memory_space<vmem>>
      %dma_wait3A_93 = tpu.memref_squeeze %dma_wait3A_92 : memref<1x128xi32, #tpu.memory_space<vmem>> -> memref<128xi32, #tpu.memory_space<vmem>>
      %dma_wait3A_94 = arith.constant 0 : i32
      %dma_wait3A_95 = arith.constant 0 : i32
      %dma_wait3A_96 = tpu.memref_slice %arg3[%dma_wait3A_94, %dma_wait3A_95] : memref<10000x128xf32, #tpu.memory_space<hbm>> -> memref<10000x128xf32, #tpu.memory_space<hbm>>
      tpu.wait_indirect_dma semaphore(%arg10 : memref<!tpu.dma_semaphore, #tpu.memory_space<semaphore_mem>>) src(%dma_wait3A_96 : memref<10000x128xf32, #tpu.memory_space<hbm>>) dst(%arg8 : memref<128x128xf32, #tpu.memory_space<vmem>>)
      %run_scoped3A = arith.constant 0 : i32
      "tpu.region"() ({
        %run_scoped3A_367 = tpu.sem_alloc : memref<!tpu.dma_semaphore, #tpu.memory_space<semaphore_mem>>
        %dma_start3A_368 = arith.constant 0 : i32
        %dma_start3A_369 = tpu.memref_slice %arg6[%run_scoped3A, %dma_start3A_368] : memref<8x128xi32, #tpu.memory_space<vmem>> -> memref<1x128xi32, #tpu.memory_space<vmem>>
        %dma_start3A_370 = tpu.memref_squeeze %dma_start3A_369 : memref<1x128xi32, #tpu.memory_space<vmem>> -> memref<128xi32, #tpu.memory_space<vmem>>
        %dma_start3A_371 = arith.constant 0 : i32
        %dma_start3A_372 = arith.constant 0 : i32
        %dma_start3A_373 = tpu.memref_slice %arg17[%dma_start3A_371, %dma_start3A_372] : memref<10080x128xf32, #tpu.memory_space<vmem_shared>> -> memref<10080x128xf32, #tpu.memory_space<vmem_shared>>
        tpu.enqueue_indirect_dma source(%arg8 : memref<128x128xf32, #tpu.memory_space<vmem>>) target(%dma_start3A_373 : memref<10080x128xf32, #tpu.memory_space<vmem_shared>>) offsets(%dma_start3A_370 : memref<128xi32, #tpu.memory_space<vmem>>) semaphore(%run_scoped3A_367 : memref<!tpu.dma_semaphore, #tpu.memory_space<semaphore_mem>>) {add = true}
        %dma_wait3A_374 = arith.constant 0 : i32
        %dma_wait3A_375 = tpu.memref_slice %arg6[%run_scoped3A, %dma_wait3A_374] : memref<8x128xi32, #tpu.memory_space<vmem>> -> memref<1x128xi32, #tpu.memory_space<vmem>>
        %dma_wait3A_376 = tpu.memref_squeeze %dma_wait3A_375 : memref<1x128xi32, #tpu.memory_space<vmem>> -> memref<128xi32, #tpu.memory_space<vmem>>
        %dma_wait3A_377 = arith.constant 0 : i32
        %dma_wait3A_378 = arith.constant 0 : i32
        %dma_wait3A_379 = tpu.memref_slice %arg17[%dma_wait3A_377, %dma_wait3A_378] : memref<10080x128xf32, #tpu.memory_space<vmem_shared>> -> memref<10080x128xf32, #tpu.memory_space<vmem_shared>>
        tpu.wait_indirect_dma semaphore(%run_scoped3A_367 : memref<!tpu.dma_semaphore, #tpu.memory_space<semaphore_mem>>) src(%arg8 : memref<128x128xf32, #tpu.memory_space<vmem>>) dst(%dma_wait3A_379 : memref<10080x128xf32, #tpu.memory_space<vmem_shared>>)
        tpu.yield
      }) : () -> ()
      %lt3A_97 = arith.constant 78 : i32
      %lt3A_98 = arith.cmpi slt, %add3A_90, %lt3A_97 : i32
      %convert_element_type3A_99 = arith.extui %lt3A_98 : i1 to i32
      %cond3A_100 = arith.constant 0 : i32
      %cond3A_101 = arith.cmpi ne, %convert_element_type3A_99, %cond3A_100 : i32
      scf.if %cond3A_101 {
        %add3A_367 = arith.constant 2 : i32
        %add3A_368 = arith.addi %add3A_90, %add3A_367 : i32
        %dma_start3A_369 = arith.constant 0 : i32
        %dma_start3A_370 = tpu.memref_slice %arg5[%add3A_368, %dma_start3A_369] : memref<80x128xi32, #tpu.memory_space<vmem>> -> memref<1x128xi32, #tpu.memory_space<vmem>>
        %dma_start3A_371 = tpu.memref_squeeze %dma_start3A_370 : memref<1x128xi32, #tpu.memory_space<vmem>> -> memref<128xi32, #tpu.memory_space<vmem>>
        %dma_start3A_372 = arith.constant 0 : i32
        %dma_start3A_373 = arith.constant 0 : i32
        %dma_start3A_374 = tpu.memref_slice %arg3[%dma_start3A_372, %dma_start3A_373] : memref<10000x128xf32, #tpu.memory_space<hbm>> -> memref<10000x128xf32, #tpu.memory_space<hbm>>
        tpu.enqueue_indirect_dma source(%dma_start3A_374 : memref<10000x128xf32, #tpu.memory_space<hbm>>) target(%arg8 : memref<128x128xf32, #tpu.memory_space<vmem>>) offsets(%dma_start3A_371 : memref<128xi32, #tpu.memory_space<vmem>>) semaphore(%arg10 : memref<!tpu.dma_semaphore, #tpu.memory_space<semaphore_mem>>)
      } else {
      }
      %mul3A_102 = arith.constant 8 : i32
      %mul3A_103 = arith.muli %mul3A_76, %mul3A_102 : i32
      %add3A_104 = arith.constant 1 : i32
      %add3A_105 = arith.addi %mul3A_103, %add3A_104 : i32
      %dma_wait3A_106 = arith.constant 0 : i32
      %dma_wait3A_107 = tpu.memref_slice %arg5[%add3A_105, %dma_wait3A_106] : memref<80x128xi32, #tpu.memory_space<vmem>> -> memref<1x128xi32, #tpu.memory_space<vmem>>
      %dma_wait3A_108 = tpu.memref_squeeze %dma_wait3A_107 : memref<1x128xi32, #tpu.memory_space<vmem>> -> memref<128xi32, #tpu.memory_space<vmem>>
      %dma_wait3A_109 = arith.constant 0 : i32
      %dma_wait3A_110 = arith.constant 0 : i32
      %dma_wait3A_111 = tpu.memref_slice %arg3[%dma_wait3A_109, %dma_wait3A_110] : memref<10000x128xf32, #tpu.memory_space<hbm>> -> memref<10000x128xf32, #tpu.memory_space<hbm>>
      tpu.wait_indirect_dma semaphore(%arg11 : memref<!tpu.dma_semaphore, #tpu.memory_space<semaphore_mem>>) src(%dma_wait3A_111 : memref<10000x128xf32, #tpu.memory_space<hbm>>) dst(%arg9 : memref<128x128xf32, #tpu.memory_space<vmem>>)
      %run_scoped3A_112 = arith.constant 1 : i32
      "tpu.region"() ({
        %run_scoped3A_367 = tpu.sem_alloc : memref<!tpu.dma_semaphore, #tpu.memory_space<semaphore_mem>>
        %dma_start3A_368 = arith.constant 0 : i32
        %dma_start3A_369 = tpu.memref_slice %arg6[%run_scoped3A_112, %dma_start3A_368] : memref<8x128xi32, #tpu.memory_space<vmem>> -> memref<1x128xi32, #tpu.memory_space<vmem>>
        %dma_start3A_370 = tpu.memref_squeeze %dma_start3A_369 : memref<1x128xi32, #tpu.memory_space<vmem>> -> memref<128xi32, #tpu.memory_space<vmem>>
        %dma_start3A_371 = arith.constant 0 : i32
        %dma_start3A_372 = arith.constant 0 : i32
        %dma_start3A_373 = tpu.memref_slice %arg17[%dma_start3A_371, %dma_start3A_372] : memref<10080x128xf32, #tpu.memory_space<vmem_shared>> -> memref<10080x128xf32, #tpu.memory_space<vmem_shared>>
        tpu.enqueue_indirect_dma source(%arg9 : memref<128x128xf32, #tpu.memory_space<vmem>>) target(%dma_start3A_373 : memref<10080x128xf32, #tpu.memory_space<vmem_shared>>) offsets(%dma_start3A_370 : memref<128xi32, #tpu.memory_space<vmem>>) semaphore(%run_scoped3A_367 : memref<!tpu.dma_semaphore, #tpu.memory_space<semaphore_mem>>) {add = true}
        %dma_wait3A_374 = arith.constant 0 : i32
        %dma_wait3A_375 = tpu.memref_slice %arg6[%run_scoped3A_112, %dma_wait3A_374] : memref<8x128xi32, #tpu.memory_space<vmem>> -> memref<1x128xi32, #tpu.memory_space<vmem>>
        %dma_wait3A_376 = tpu.memref_squeeze %dma_wait3A_375 : memref<1x128xi32, #tpu.memory_space<vmem>> -> memref<128xi32, #tpu.memory_space<vmem>>
        %dma_wait3A_377 = arith.constant 0 : i32
        %dma_wait3A_378 = arith.constant 0 : i32
        %dma_wait3A_379 = tpu.memref_slice %arg17[%dma_wait3A_377, %dma_wait3A_378] : memref<10080x128xf32, #tpu.memory_space<vmem_shared>> -> memref<10080x128xf32, #tpu.memory_space<vmem_shared>>
        tpu.wait_indirect_dma semaphore(%run_scoped3A_367 : memref<!tpu.dma_semaphore, #tpu.memory_space<semaphore_mem>>) src(%arg9 : memref<128x128xf32, #tpu.memory_space<vmem>>) dst(%dma_wait3A_379 : memref<10080x128xf32, #tpu.memory_space<vmem_shared>>)
        tpu.yield
      }) : () -> ()
      %lt3A_113 = arith.constant 78 : i32
      %lt3A_114 = arith.cmpi slt, %add3A_105, %lt3A_113 : i32
      %convert_element_type3A_115 = arith.extui %lt3A_114 : i1 to i32
      %cond3A_116 = arith.constant 0 : i32
      %cond3A_117 = arith.cmpi ne, %convert_element_type3A_115, %cond3A_116 : i32
      scf.if %cond3A_117 {
        %add3A_367 = arith.constant 2 : i32
        %add3A_368 = arith.addi %add3A_105, %add3A_367 : i32
        %dma_start3A_369 = arith.constant 0 : i32
        %dma_start3A_370 = tpu.memref_slice %arg5[%add3A_368, %dma_start3A_369] : memref<80x128xi32, #tpu.memory_space<vmem>> -> memref<1x128xi32, #tpu.memory_space<vmem>>
        %dma_start3A_371 = tpu.memref_squeeze %dma_start3A_370 : memref<1x128xi32, #tpu.memory_space<vmem>> -> memref<128xi32, #tpu.memory_space<vmem>>
        %dma_start3A_372 = arith.constant 0 : i32
        %dma_start3A_373 = arith.constant 0 : i32
        %dma_start3A_374 = tpu.memref_slice %arg3[%dma_start3A_372, %dma_start3A_373] : memref<10000x128xf32, #tpu.memory_space<hbm>> -> memref<10000x128xf32, #tpu.memory_space<hbm>>
        tpu.enqueue_indirect_dma source(%dma_start3A_374 : memref<10000x128xf32, #tpu.memory_space<hbm>>) target(%arg9 : memref<128x128xf32, #tpu.memory_space<vmem>>) offsets(%dma_start3A_371 : memref<128xi32, #tpu.memory_space<vmem>>) semaphore(%arg11 : memref<!tpu.dma_semaphore, #tpu.memory_space<semaphore_mem>>)
      } else {
      }
      %mul3A_118 = arith.constant 8 : i32
      %mul3A_119 = arith.muli %mul3A_76, %mul3A_118 : i32
      %add3A_120 = arith.constant 2 : i32
      %add3A_121 = arith.addi %mul3A_119, %add3A_120 : i32
      %dma_wait3A_122 = arith.constant 0 : i32
      %dma_wait3A_123 = tpu.memref_slice %arg5[%add3A_121, %dma_wait3A_122] : memref<80x128xi32, #tpu.memory_space<vmem>> -> memref<1x128xi32, #tpu.memory_space<vmem>>
      %dma_wait3A_124 = tpu.memref_squeeze %dma_wait3A_123 : memref<1x128xi32, #tpu.memory_space<vmem>> -> memref<128xi32, #tpu.memory_space<vmem>>
      %dma_wait3A_125 = arith.constant 0 : i32
      %dma_wait3A_126 = arith.constant 0 : i32
      %dma_wait3A_127 = tpu.memref_slice %arg3[%dma_wait3A_125, %dma_wait3A_126] : memref<10000x128xf32, #tpu.memory_space<hbm>> -> memref<10000x128xf32, #tpu.memory_space<hbm>>
      tpu.wait_indirect_dma semaphore(%arg10 : memref<!tpu.dma_semaphore, #tpu.memory_space<semaphore_mem>>) src(%dma_wait3A_127 : memref<10000x128xf32, #tpu.memory_space<hbm>>) dst(%arg8 : memref<128x128xf32, #tpu.memory_space<vmem>>)
      %run_scoped3A_128 = arith.constant 2 : i32
      "tpu.region"() ({
        %run_scoped3A_367 = tpu.sem_alloc : memref<!tpu.dma_semaphore, #tpu.memory_space<semaphore_mem>>
        %dma_start3A_368 = arith.constant 0 : i32
        %dma_start3A_369 = tpu.memref_slice %arg6[%run_scoped3A_128, %dma_start3A_368] : memref<8x128xi32, #tpu.memory_space<vmem>> -> memref<1x128xi32, #tpu.memory_space<vmem>>
        %dma_start3A_370 = tpu.memref_squeeze %dma_start3A_369 : memref<1x128xi32, #tpu.memory_space<vmem>> -> memref<128xi32, #tpu.memory_space<vmem>>
        %dma_start3A_371 = arith.constant 0 : i32
        %dma_start3A_372 = arith.constant 0 : i32
        %dma_start3A_373 = tpu.memref_slice %arg17[%dma_start3A_371, %dma_start3A_372] : memref<10080x128xf32, #tpu.memory_space<vmem_shared>> -> memref<10080x128xf32, #tpu.memory_space<vmem_shared>>
        tpu.enqueue_indirect_dma source(%arg8 : memref<128x128xf32, #tpu.memory_space<vmem>>) target(%dma_start3A_373 : memref<10080x128xf32, #tpu.memory_space<vmem_shared>>) offsets(%dma_start3A_370 : memref<128xi32, #tpu.memory_space<vmem>>) semaphore(%run_scoped3A_367 : memref<!tpu.dma_semaphore, #tpu.memory_space<semaphore_mem>>) {add = true}
        %dma_wait3A_374 = arith.constant 0 : i32
        %dma_wait3A_375 = tpu.memref_slice %arg6[%run_scoped3A_128, %dma_wait3A_374] : memref<8x128xi32, #tpu.memory_space<vmem>> -> memref<1x128xi32, #tpu.memory_space<vmem>>
        %dma_wait3A_376 = tpu.memref_squeeze %dma_wait3A_375 : memref<1x128xi32, #tpu.memory_space<vmem>> -> memref<128xi32, #tpu.memory_space<vmem>>
        %dma_wait3A_377 = arith.constant 0 : i32
        %dma_wait3A_378 = arith.constant 0 : i32
        %dma_wait3A_379 = tpu.memref_slice %arg17[%dma_wait3A_377, %dma_wait3A_378] : memref<10080x128xf32, #tpu.memory_space<vmem_shared>> -> memref<10080x128xf32, #tpu.memory_space<vmem_shared>>
        tpu.wait_indirect_dma semaphore(%run_scoped3A_367 : memref<!tpu.dma_semaphore, #tpu.memory_space<semaphore_mem>>) src(%arg8 : memref<128x128xf32, #tpu.memory_space<vmem>>) dst(%dma_wait3A_379 : memref<10080x128xf32, #tpu.memory_space<vmem_shared>>)
        tpu.yield
      }) : () -> ()
      %lt3A_129 = arith.constant 78 : i32
      %lt3A_130 = arith.cmpi slt, %add3A_121, %lt3A_129 : i32
      %convert_element_type3A_131 = arith.extui %lt3A_130 : i1 to i32
      %cond3A_132 = arith.constant 0 : i32
      %cond3A_133 = arith.cmpi ne, %convert_element_type3A_131, %cond3A_132 : i32
      scf.if %cond3A_133 {
        %add3A_367 = arith.constant 2 : i32
        %add3A_368 = arith.addi %add3A_121, %add3A_367 : i32
        %dma_start3A_369 = arith.constant 0 : i32
        %dma_start3A_370 = tpu.memref_slice %arg5[%add3A_368, %dma_start3A_369] : memref<80x128xi32, #tpu.memory_space<vmem>> -> memref<1x128xi32, #tpu.memory_space<vmem>>
        %dma_start3A_371 = tpu.memref_squeeze %dma_start3A_370 : memref<1x128xi32, #tpu.memory_space<vmem>> -> memref<128xi32, #tpu.memory_space<vmem>>
        %dma_start3A_372 = arith.constant 0 : i32
        %dma_start3A_373 = arith.constant 0 : i32
        %dma_start3A_374 = tpu.memref_slice %arg3[%dma_start3A_372, %dma_start3A_373] : memref<10000x128xf32, #tpu.memory_space<hbm>> -> memref<10000x128xf32, #tpu.memory_space<hbm>>
        tpu.enqueue_indirect_dma source(%dma_start3A_374 : memref<10000x128xf32, #tpu.memory_space<hbm>>) target(%arg8 : memref<128x128xf32, #tpu.memory_space<vmem>>) offsets(%dma_start3A_371 : memref<128xi32, #tpu.memory_space<vmem>>) semaphore(%arg10 : memref<!tpu.dma_semaphore, #tpu.memory_space<semaphore_mem>>)
      } else {
      }
      %mul3A_134 = arith.constant 8 : i32
      %mul3A_135 = arith.muli %mul3A_76, %mul3A_134 : i32
      %add3A_136 = arith.constant 3 : i32
      %add3A_137 = arith.addi %mul3A_135, %add3A_136 : i32
      %dma_wait3A_138 = arith.constant 0 : i32
      %dma_wait3A_139 = tpu.memref_slice %arg5[%add3A_137, %dma_wait3A_138] : memref<80x128xi32, #tpu.memory_space<vmem>> -> memref<1x128xi32, #tpu.memory_space<vmem>>
      %dma_wait3A_140 = tpu.memref_squeeze %dma_wait3A_139 : memref<1x128xi32, #tpu.memory_space<vmem>> -> memref<128xi32, #tpu.memory_space<vmem>>
      %dma_wait3A_141 = arith.constant 0 : i32
      %dma_wait3A_142 = arith.constant 0 : i32
      %dma_wait3A_143 = tpu.memref_slice %arg3[%dma_wait3A_141, %dma_wait3A_142] : memref<10000x128xf32, #tpu.memory_space<hbm>> -> memref<10000x128xf32, #tpu.memory_space<hbm>>
      tpu.wait_indirect_dma semaphore(%arg11 : memref<!tpu.dma_semaphore, #tpu.memory_space<semaphore_mem>>) src(%dma_wait3A_143 : memref<10000x128xf32, #tpu.memory_space<hbm>>) dst(%arg9 : memref<128x128xf32, #tpu.memory_space<vmem>>)
      %run_scoped3A_144 = arith.constant 3 : i32
      "tpu.region"() ({
        %run_scoped3A_367 = tpu.sem_alloc : memref<!tpu.dma_semaphore, #tpu.memory_space<semaphore_mem>>
        %dma_start3A_368 = arith.constant 0 : i32
        %dma_start3A_369 = tpu.memref_slice %arg6[%run_scoped3A_144, %dma_start3A_368] : memref<8x128xi32, #tpu.memory_space<vmem>> -> memref<1x128xi32, #tpu.memory_space<vmem>>
        %dma_start3A_370 = tpu.memref_squeeze %dma_start3A_369 : memref<1x128xi32, #tpu.memory_space<vmem>> -> memref<128xi32, #tpu.memory_space<vmem>>
        %dma_start3A_371 = arith.constant 0 : i32
        %dma_start3A_372 = arith.constant 0 : i32
        %dma_start3A_373 = tpu.memref_slice %arg17[%dma_start3A_371, %dma_start3A_372] : memref<10080x128xf32, #tpu.memory_space<vmem_shared>> -> memref<10080x128xf32, #tpu.memory_space<vmem_shared>>
        tpu.enqueue_indirect_dma source(%arg9 : memref<128x128xf32, #tpu.memory_space<vmem>>) target(%dma_start3A_373 : memref<10080x128xf32, #tpu.memory_space<vmem_shared>>) offsets(%dma_start3A_370 : memref<128xi32, #tpu.memory_space<vmem>>) semaphore(%run_scoped3A_367 : memref<!tpu.dma_semaphore, #tpu.memory_space<semaphore_mem>>) {add = true}
        %dma_wait3A_374 = arith.constant 0 : i32
        %dma_wait3A_375 = tpu.memref_slice %arg6[%run_scoped3A_144, %dma_wait3A_374] : memref<8x128xi32, #tpu.memory_space<vmem>> -> memref<1x128xi32, #tpu.memory_space<vmem>>
        %dma_wait3A_376 = tpu.memref_squeeze %dma_wait3A_375 : memref<1x128xi32, #tpu.memory_space<vmem>> -> memref<128xi32, #tpu.memory_space<vmem>>
        %dma_wait3A_377 = arith.constant 0 : i32
        %dma_wait3A_378 = arith.constant 0 : i32
        %dma_wait3A_379 = tpu.memref_slice %arg17[%dma_wait3A_377, %dma_wait3A_378] : memref<10080x128xf32, #tpu.memory_space<vmem_shared>> -> memref<10080x128xf32, #tpu.memory_space<vmem_shared>>
        tpu.wait_indirect_dma semaphore(%run_scoped3A_367 : memref<!tpu.dma_semaphore, #tpu.memory_space<semaphore_mem>>) src(%arg9 : memref<128x128xf32, #tpu.memory_space<vmem>>) dst(%dma_wait3A_379 : memref<10080x128xf32, #tpu.memory_space<vmem_shared>>)
        tpu.yield
      }) : () -> ()
      %lt3A_145 = arith.constant 78 : i32
      %lt3A_146 = arith.cmpi slt, %add3A_137, %lt3A_145 : i32
      %convert_element_type3A_147 = arith.extui %lt3A_146 : i1 to i32
      %cond3A_148 = arith.constant 0 : i32
      %cond3A_149 = arith.cmpi ne, %convert_element_type3A_147, %cond3A_148 : i32
      scf.if %cond3A_149 {
        %add3A_367 = arith.constant 2 : i32
        %add3A_368 = arith.addi %add3A_137, %add3A_367 : i32
        %dma_start3A_369 = arith.constant 0 : i32
        %dma_start3A_370 = tpu.memref_slice %arg5[%add3A_368, %dma_start3A_369] : memref<80x128xi32, #tpu.memory_space<vmem>> -> memref<1x128xi32, #tpu.memory_space<vmem>>
        %dma_start3A_371 = tpu.memref_squeeze %dma_start3A_370 : memref<1x128xi32, #tpu.memory_space<vmem>> -> memref<128xi32, #tpu.memory_space<vmem>>
        %dma_start3A_372 = arith.constant 0 : i32
        %dma_start3A_373 = arith.constant 0 : i32
        %dma_start3A_374 = tpu.memref_slice %arg3[%dma_start3A_372, %dma_start3A_373] : memref<10000x128xf32, #tpu.memory_space<hbm>> -> memref<10000x128xf32, #tpu.memory_space<hbm>>
        tpu.enqueue_indirect_dma source(%dma_start3A_374 : memref<10000x128xf32, #tpu.memory_space<hbm>>) target(%arg9 : memref<128x128xf32, #tpu.memory_space<vmem>>) offsets(%dma_start3A_371 : memref<128xi32, #tpu.memory_space<vmem>>) semaphore(%arg11 : memref<!tpu.dma_semaphore, #tpu.memory_space<semaphore_mem>>)
      } else {
      }
      %mul3A_150 = arith.constant 8 : i32
      %mul3A_151 = arith.muli %mul3A_76, %mul3A_150 : i32
      %add3A_152 = arith.constant 4 : i32
      %add3A_153 = arith.addi %mul3A_151, %add3A_152 : i32
      %dma_wait3A_154 = arith.constant 0 : i32
      %dma_wait3A_155 = tpu.memref_slice %arg5[%add3A_153, %dma_wait3A_154] : memref<80x128xi32, #tpu.memory_space<vmem>> -> memref<1x128xi32, #tpu.memory_space<vmem>>
      %dma_wait3A_156 = tpu.memref_squeeze %dma_wait3A_155 : memref<1x128xi32, #tpu.memory_space<vmem>> -> memref<128xi32, #tpu.memory_space<vmem>>
      %dma_wait3A_157 = arith.constant 0 : i32
      %dma_wait3A_158 = arith.constant 0 : i32
      %dma_wait3A_159 = tpu.memref_slice %arg3[%dma_wait3A_157, %dma_wait3A_158] : memref<10000x128xf32, #tpu.memory_space<hbm>> -> memref<10000x128xf32, #tpu.memory_space<hbm>>
      tpu.wait_indirect_dma semaphore(%arg10 : memref<!tpu.dma_semaphore, #tpu.memory_space<semaphore_mem>>) src(%dma_wait3A_159 : memref<10000x128xf32, #tpu.memory_space<hbm>>) dst(%arg8 : memref<128x128xf32, #tpu.memory_space<vmem>>)
      %run_scoped3A_160 = arith.constant 4 : i32
      "tpu.region"() ({
        %run_scoped3A_367 = tpu.sem_alloc : memref<!tpu.dma_semaphore, #tpu.memory_space<semaphore_mem>>
        %dma_start3A_368 = arith.constant 0 : i32
        %dma_start3A_369 = tpu.memref_slice %arg6[%run_scoped3A_160, %dma_start3A_368] : memref<8x128xi32, #tpu.memory_space<vmem>> -> memref<1x128xi32, #tpu.memory_space<vmem>>
        %dma_start3A_370 = tpu.memref_squeeze %dma_start3A_369 : memref<1x128xi32, #tpu.memory_space<vmem>> -> memref<128xi32, #tpu.memory_space<vmem>>
        %dma_start3A_371 = arith.constant 0 : i32
        %dma_start3A_372 = arith.constant 0 : i32
        %dma_start3A_373 = tpu.memref_slice %arg17[%dma_start3A_371, %dma_start3A_372] : memref<10080x128xf32, #tpu.memory_space<vmem_shared>> -> memref<10080x128xf32, #tpu.memory_space<vmem_shared>>
        tpu.enqueue_indirect_dma source(%arg8 : memref<128x128xf32, #tpu.memory_space<vmem>>) target(%dma_start3A_373 : memref<10080x128xf32, #tpu.memory_space<vmem_shared>>) offsets(%dma_start3A_370 : memref<128xi32, #tpu.memory_space<vmem>>) semaphore(%run_scoped3A_367 : memref<!tpu.dma_semaphore, #tpu.memory_space<semaphore_mem>>) {add = true}
        %dma_wait3A_374 = arith.constant 0 : i32
        %dma_wait3A_375 = tpu.memref_slice %arg6[%run_scoped3A_160, %dma_wait3A_374] : memref<8x128xi32, #tpu.memory_space<vmem>> -> memref<1x128xi32, #tpu.memory_space<vmem>>
        %dma_wait3A_376 = tpu.memref_squeeze %dma_wait3A_375 : memref<1x128xi32, #tpu.memory_space<vmem>> -> memref<128xi32, #tpu.memory_space<vmem>>
        %dma_wait3A_377 = arith.constant 0 : i32
        %dma_wait3A_378 = arith.constant 0 : i32
        %dma_wait3A_379 = tpu.memref_slice %arg17[%dma_wait3A_377, %dma_wait3A_378] : memref<10080x128xf32, #tpu.memory_space<vmem_shared>> -> memref<10080x128xf32, #tpu.memory_space<vmem_shared>>
        tpu.wait_indirect_dma semaphore(%run_scoped3A_367 : memref<!tpu.dma_semaphore, #tpu.memory_space<semaphore_mem>>) src(%arg8 : memref<128x128xf32, #tpu.memory_space<vmem>>) dst(%dma_wait3A_379 : memref<10080x128xf32, #tpu.memory_space<vmem_shared>>)
        tpu.yield
      }) : () -> ()
      %lt3A_161 = arith.constant 78 : i32
      %lt3A_162 = arith.cmpi slt, %add3A_153, %lt3A_161 : i32
      %convert_element_type3A_163 = arith.extui %lt3A_162 : i1 to i32
      %cond3A_164 = arith.constant 0 : i32
      %cond3A_165 = arith.cmpi ne, %convert_element_type3A_163, %cond3A_164 : i32
      scf.if %cond3A_165 {
        %add3A_367 = arith.constant 2 : i32
        %add3A_368 = arith.addi %add3A_153, %add3A_367 : i32
        %dma_start3A_369 = arith.constant 0 : i32
        %dma_start3A_370 = tpu.memref_slice %arg5[%add3A_368, %dma_start3A_369] : memref<80x128xi32, #tpu.memory_space<vmem>> -> memref<1x128xi32, #tpu.memory_space<vmem>>
        %dma_start3A_371 = tpu.memref_squeeze %dma_start3A_370 : memref<1x128xi32, #tpu.memory_space<vmem>> -> memref<128xi32, #tpu.memory_space<vmem>>
        %dma_start3A_372 = arith.constant 0 : i32
        %dma_start3A_373 = arith.constant 0 : i32
        %dma_start3A_374 = tpu.memref_slice %arg3[%dma_start3A_372, %dma_start3A_373] : memref<10000x128xf32, #tpu.memory_space<hbm>> -> memref<10000x128xf32, #tpu.memory_space<hbm>>
        tpu.enqueue_indirect_dma source(%dma_start3A_374 : memref<10000x128xf32, #tpu.memory_space<hbm>>) target(%arg8 : memref<128x128xf32, #tpu.memory_space<vmem>>) offsets(%dma_start3A_371 : memref<128xi32, #tpu.memory_space<vmem>>) semaphore(%arg10 : memref<!tpu.dma_semaphore, #tpu.memory_space<semaphore_mem>>)
      } else {
      }
      %mul3A_166 = arith.constant 8 : i32
      %mul3A_167 = arith.muli %mul3A_76, %mul3A_166 : i32
      %add3A_168 = arith.constant 5 : i32
      %add3A_169 = arith.addi %mul3A_167, %add3A_168 : i32
      %dma_wait3A_170 = arith.constant 0 : i32
      %dma_wait3A_171 = tpu.memref_slice %arg5[%add3A_169, %dma_wait3A_170] : memref<80x128xi32, #tpu.memory_space<vmem>> -> memref<1x128xi32, #tpu.memory_space<vmem>>
      %dma_wait3A_172 = tpu.memref_squeeze %dma_wait3A_171 : memref<1x128xi32, #tpu.memory_space<vmem>> -> memref<128xi32, #tpu.memory_space<vmem>>
      %dma_wait3A_173 = arith.constant 0 : i32
      %dma_wait3A_174 = arith.constant 0 : i32
      %dma_wait3A_175 = tpu.memref_slice %arg3[%dma_wait3A_173, %dma_wait3A_174] : memref<10000x128xf32, #tpu.memory_space<hbm>> -> memref<10000x128xf32, #tpu.memory_space<hbm>>
      tpu.wait_indirect_dma semaphore(%arg11 : memref<!tpu.dma_semaphore, #tpu.memory_space<semaphore_mem>>) src(%dma_wait3A_175 : memref<10000x128xf32, #tpu.memory_space<hbm>>) dst(%arg9 : memref<128x128xf32, #tpu.memory_space<vmem>>)
      %run_scoped3A_176 = arith.constant 5 : i32
      "tpu.region"() ({
        %run_scoped3A_367 = tpu.sem_alloc : memref<!tpu.dma_semaphore, #tpu.memory_space<semaphore_mem>>
        %dma_start3A_368 = arith.constant 0 : i32
        %dma_start3A_369 = tpu.memref_slice %arg6[%run_scoped3A_176, %dma_start3A_368] : memref<8x128xi32, #tpu.memory_space<vmem>> -> memref<1x128xi32, #tpu.memory_space<vmem>>
        %dma_start3A_370 = tpu.memref_squeeze %dma_start3A_369 : memref<1x128xi32, #tpu.memory_space<vmem>> -> memref<128xi32, #tpu.memory_space<vmem>>
        %dma_start3A_371 = arith.constant 0 : i32
        %dma_start3A_372 = arith.constant 0 : i32
        %dma_start3A_373 = tpu.memref_slice %arg17[%dma_start3A_371, %dma_start3A_372] : memref<10080x128xf32, #tpu.memory_space<vmem_shared>> -> memref<10080x128xf32, #tpu.memory_space<vmem_shared>>
        tpu.enqueue_indirect_dma source(%arg9 : memref<128x128xf32, #tpu.memory_space<vmem>>) target(%dma_start3A_373 : memref<10080x128xf32, #tpu.memory_space<vmem_shared>>) offsets(%dma_start3A_370 : memref<128xi32, #tpu.memory_space<vmem>>) semaphore(%run_scoped3A_367 : memref<!tpu.dma_semaphore, #tpu.memory_space<semaphore_mem>>) {add = true}
        %dma_wait3A_374 = arith.constant 0 : i32
        %dma_wait3A_375 = tpu.memref_slice %arg6[%run_scoped3A_176, %dma_wait3A_374] : memref<8x128xi32, #tpu.memory_space<vmem>> -> memref<1x128xi32, #tpu.memory_space<vmem>>
        %dma_wait3A_376 = tpu.memref_squeeze %dma_wait3A_375 : memref<1x128xi32, #tpu.memory_space<vmem>> -> memref<128xi32, #tpu.memory_space<vmem>>
        %dma_wait3A_377 = arith.constant 0 : i32
        %dma_wait3A_378 = arith.constant 0 : i32
        %dma_wait3A_379 = tpu.memref_slice %arg17[%dma_wait3A_377, %dma_wait3A_378] : memref<10080x128xf32, #tpu.memory_space<vmem_shared>> -> memref<10080x128xf32, #tpu.memory_space<vmem_shared>>
        tpu.wait_indirect_dma semaphore(%run_scoped3A_367 : memref<!tpu.dma_semaphore, #tpu.memory_space<semaphore_mem>>) src(%arg9 : memref<128x128xf32, #tpu.memory_space<vmem>>) dst(%dma_wait3A_379 : memref<10080x128xf32, #tpu.memory_space<vmem_shared>>)
        tpu.yield
      }) : () -> ()
      %lt3A_177 = arith.constant 78 : i32
      %lt3A_178 = arith.cmpi slt, %add3A_169, %lt3A_177 : i32
      %convert_element_type3A_179 = arith.extui %lt3A_178 : i1 to i32
      %cond3A_180 = arith.constant 0 : i32
      %cond3A_181 = arith.cmpi ne, %convert_element_type3A_179, %cond3A_180 : i32
      scf.if %cond3A_181 {
        %add3A_367 = arith.constant 2 : i32
        %add3A_368 = arith.addi %add3A_169, %add3A_367 : i32
        %dma_start3A_369 = arith.constant 0 : i32
        %dma_start3A_370 = tpu.memref_slice %arg5[%add3A_368, %dma_start3A_369] : memref<80x128xi32, #tpu.memory_space<vmem>> -> memref<1x128xi32, #tpu.memory_space<vmem>>
        %dma_start3A_371 = tpu.memref_squeeze %dma_start3A_370 : memref<1x128xi32, #tpu.memory_space<vmem>> -> memref<128xi32, #tpu.memory_space<vmem>>
        %dma_start3A_372 = arith.constant 0 : i32
        %dma_start3A_373 = arith.constant 0 : i32
        %dma_start3A_374 = tpu.memref_slice %arg3[%dma_start3A_372, %dma_start3A_373] : memref<10000x128xf32, #tpu.memory_space<hbm>> -> memref<10000x128xf32, #tpu.memory_space<hbm>>
        tpu.enqueue_indirect_dma source(%dma_start3A_374 : memref<10000x128xf32, #tpu.memory_space<hbm>>) target(%arg9 : memref<128x128xf32, #tpu.memory_space<vmem>>) offsets(%dma_start3A_371 : memref<128xi32, #tpu.memory_space<vmem>>) semaphore(%arg11 : memref<!tpu.dma_semaphore, #tpu.memory_space<semaphore_mem>>)
      } else {
      }
      %mul3A_182 = arith.constant 8 : i32
      %mul3A_183 = arith.muli %mul3A_76, %mul3A_182 : i32
      %add3A_184 = arith.constant 6 : i32
      %add3A_185 = arith.addi %mul3A_183, %add3A_184 : i32
      %dma_wait3A_186 = arith.constant 0 : i32
      %dma_wait3A_187 = tpu.memref_slice %arg5[%add3A_185, %dma_wait3A_186] : memref<80x128xi32, #tpu.memory_space<vmem>> -> memref<1x128xi32, #tpu.memory_space<vmem>>
      %dma_wait3A_188 = tpu.memref_squeeze %dma_wait3A_187 : memref<1x128xi32, #tpu.memory_space<vmem>> -> memref<128xi32, #tpu.memory_space<vmem>>
      %dma_wait3A_189 = arith.constant 0 : i32
      %dma_wait3A_190 = arith.constant 0 : i32
      %dma_wait3A_191 = tpu.memref_slice %arg3[%dma_wait3A_189, %dma_wait3A_190] : memref<10000x128xf32, #tpu.memory_space<hbm>> -> memref<10000x128xf32, #tpu.memory_space<hbm>>
      tpu.wait_indirect_dma semaphore(%arg10 : memref<!tpu.dma_semaphore, #tpu.memory_space<semaphore_mem>>) src(%dma_wait3A_191 : memref<10000x128xf32, #tpu.memory_space<hbm>>) dst(%arg8 : memref<128x128xf32, #tpu.memory_space<vmem>>)
      %run_scoped3A_192 = arith.constant 6 : i32
      "tpu.region"() ({
        %run_scoped3A_367 = tpu.sem_alloc : memref<!tpu.dma_semaphore, #tpu.memory_space<semaphore_mem>>
        %dma_start3A_368 = arith.constant 0 : i32
        %dma_start3A_369 = tpu.memref_slice %arg6[%run_scoped3A_192, %dma_start3A_368] : memref<8x128xi32, #tpu.memory_space<vmem>> -> memref<1x128xi32, #tpu.memory_space<vmem>>
        %dma_start3A_370 = tpu.memref_squeeze %dma_start3A_369 : memref<1x128xi32, #tpu.memory_space<vmem>> -> memref<128xi32, #tpu.memory_space<vmem>>
        %dma_start3A_371 = arith.constant 0 : i32
        %dma_start3A_372 = arith.constant 0 : i32
        %dma_start3A_373 = tpu.memref_slice %arg17[%dma_start3A_371, %dma_start3A_372] : memref<10080x128xf32, #tpu.memory_space<vmem_shared>> -> memref<10080x128xf32, #tpu.memory_space<vmem_shared>>
        tpu.enqueue_indirect_dma source(%arg8 : memref<128x128xf32, #tpu.memory_space<vmem>>) target(%dma_start3A_373 : memref<10080x128xf32, #tpu.memory_space<vmem_shared>>) offsets(%dma_start3A_370 : memref<128xi32, #tpu.memory_space<vmem>>) semaphore(%run_scoped3A_367 : memref<!tpu.dma_semaphore, #tpu.memory_space<semaphore_mem>>) {add = true}
        %dma_wait3A_374 = arith.constant 0 : i32
        %dma_wait3A_375 = tpu.memref_slice %arg6[%run_scoped3A_192, %dma_wait3A_374] : memref<8x128xi32, #tpu.memory_space<vmem>> -> memref<1x128xi32, #tpu.memory_space<vmem>>
        %dma_wait3A_376 = tpu.memref_squeeze %dma_wait3A_375 : memref<1x128xi32, #tpu.memory_space<vmem>> -> memref<128xi32, #tpu.memory_space<vmem>>
        %dma_wait3A_377 = arith.constant 0 : i32
        %dma_wait3A_378 = arith.constant 0 : i32
        %dma_wait3A_379 = tpu.memref_slice %arg17[%dma_wait3A_377, %dma_wait3A_378] : memref<10080x128xf32, #tpu.memory_space<vmem_shared>> -> memref<10080x128xf32, #tpu.memory_space<vmem_shared>>
        tpu.wait_indirect_dma semaphore(%run_scoped3A_367 : memref<!tpu.dma_semaphore, #tpu.memory_space<semaphore_mem>>) src(%arg8 : memref<128x128xf32, #tpu.memory_space<vmem>>) dst(%dma_wait3A_379 : memref<10080x128xf32, #tpu.memory_space<vmem_shared>>)
        tpu.yield
      }) : () -> ()
      %lt3A_193 = arith.constant 78 : i32
      %lt3A_194 = arith.cmpi slt, %add3A_185, %lt3A_193 : i32
      %convert_element_type3A_195 = arith.extui %lt3A_194 : i1 to i32
      %cond3A_196 = arith.constant 0 : i32
      %cond3A_197 = arith.cmpi ne, %convert_element_type3A_195, %cond3A_196 : i32
      scf.if %cond3A_197 {
        %add3A_367 = arith.constant 2 : i32
        %add3A_368 = arith.addi %add3A_185, %add3A_367 : i32
        %dma_start3A_369 = arith.constant 0 : i32
        %dma_start3A_370 = tpu.memref_slice %arg5[%add3A_368, %dma_start3A_369] : memref<80x128xi32, #tpu.memory_space<vmem>> -> memref<1x128xi32, #tpu.memory_space<vmem>>
        %dma_start3A_371 = tpu.memref_squeeze %dma_start3A_370 : memref<1x128xi32, #tpu.memory_space<vmem>> -> memref<128xi32, #tpu.memory_space<vmem>>
        %dma_start3A_372 = arith.constant 0 : i32
        %dma_start3A_373 = arith.constant 0 : i32
        %dma_start3A_374 = tpu.memref_slice %arg3[%dma_start3A_372, %dma_start3A_373] : memref<10000x128xf32, #tpu.memory_space<hbm>> -> memref<10000x128xf32, #tpu.memory_space<hbm>>
        tpu.enqueue_indirect_dma source(%dma_start3A_374 : memref<10000x128xf32, #tpu.memory_space<hbm>>) target(%arg8 : memref<128x128xf32, #tpu.memory_space<vmem>>) offsets(%dma_start3A_371 : memref<128xi32, #tpu.memory_space<vmem>>) semaphore(%arg10 : memref<!tpu.dma_semaphore, #tpu.memory_space<semaphore_mem>>)
      } else {
      }
      %mul3A_198 = arith.constant 8 : i32
      %mul3A_199 = arith.muli %mul3A_76, %mul3A_198 : i32
      %add3A_200 = arith.constant 7 : i32
      %add3A_201 = arith.addi %mul3A_199, %add3A_200 : i32
      %dma_wait3A_202 = arith.constant 0 : i32
      %dma_wait3A_203 = tpu.memref_slice %arg5[%add3A_201, %dma_wait3A_202] : memref<80x128xi32, #tpu.memory_space<vmem>> -> memref<1x128xi32, #tpu.memory_space<vmem>>
      %dma_wait3A_204 = tpu.memref_squeeze %dma_wait3A_203 : memref<1x128xi32, #tpu.memory_space<vmem>> -> memref<128xi32, #tpu.memory_space<vmem>>
      %dma_wait3A_205 = arith.constant 0 : i32
      %dma_wait3A_206 = arith.constant 0 : i32
      %dma_wait3A_207 = tpu.memref_slice %arg3[%dma_wait3A_205, %dma_wait3A_206] : memref<10000x128xf32, #tpu.memory_space<hbm>> -> memref<10000x128xf32, #tpu.memory_space<hbm>>
      tpu.wait_indirect_dma semaphore(%arg11 : memref<!tpu.dma_semaphore, #tpu.memory_space<semaphore_mem>>) src(%dma_wait3A_207 : memref<10000x128xf32, #tpu.memory_space<hbm>>) dst(%arg9 : memref<128x128xf32, #tpu.memory_space<vmem>>)
      %run_scoped3A_208 = arith.constant 7 : i32
      "tpu.region"() ({
        %run_scoped3A_367 = tpu.sem_alloc : memref<!tpu.dma_semaphore, #tpu.memory_space<semaphore_mem>>
        %dma_start3A_368 = arith.constant 0 : i32
        %dma_start3A_369 = tpu.memref_slice %arg6[%run_scoped3A_208, %dma_start3A_368] : memref<8x128xi32, #tpu.memory_space<vmem>> -> memref<1x128xi32, #tpu.memory_space<vmem>>
        %dma_start3A_370 = tpu.memref_squeeze %dma_start3A_369 : memref<1x128xi32, #tpu.memory_space<vmem>> -> memref<128xi32, #tpu.memory_space<vmem>>
        %dma_start3A_371 = arith.constant 0 : i32
        %dma_start3A_372 = arith.constant 0 : i32
        %dma_start3A_373 = tpu.memref_slice %arg17[%dma_start3A_371, %dma_start3A_372] : memref<10080x128xf32, #tpu.memory_space<vmem_shared>> -> memref<10080x128xf32, #tpu.memory_space<vmem_shared>>
        tpu.enqueue_indirect_dma source(%arg9 : memref<128x128xf32, #tpu.memory_space<vmem>>) target(%dma_start3A_373 : memref<10080x128xf32, #tpu.memory_space<vmem_shared>>) offsets(%dma_start3A_370 : memref<128xi32, #tpu.memory_space<vmem>>) semaphore(%run_scoped3A_367 : memref<!tpu.dma_semaphore, #tpu.memory_space<semaphore_mem>>) {add = true}
        %dma_wait3A_374 = arith.constant 0 : i32
        %dma_wait3A_375 = tpu.memref_slice %arg6[%run_scoped3A_208, %dma_wait3A_374] : memref<8x128xi32, #tpu.memory_space<vmem>> -> memref<1x128xi32, #tpu.memory_space<vmem>>
        %dma_wait3A_376 = tpu.memref_squeeze %dma_wait3A_375 : memref<1x128xi32, #tpu.memory_space<vmem>> -> memref<128xi32, #tpu.memory_space<vmem>>
        %dma_wait3A_377 = arith.constant 0 : i32
        %dma_wait3A_378 = arith.constant 0 : i32
        %dma_wait3A_379 = tpu.memref_slice %arg17[%dma_wait3A_377, %dma_wait3A_378] : memref<10080x128xf32, #tpu.memory_space<vmem_shared>> -> memref<10080x128xf32, #tpu.memory_space<vmem_shared>>
        tpu.wait_indirect_dma semaphore(%run_scoped3A_367 : memref<!tpu.dma_semaphore, #tpu.memory_space<semaphore_mem>>) src(%arg9 : memref<128x128xf32, #tpu.memory_space<vmem>>) dst(%dma_wait3A_379 : memref<10080x128xf32, #tpu.memory_space<vmem_shared>>)
        tpu.yield
      }) : () -> ()
      %lt3A_209 = arith.constant 78 : i32
      %lt3A_210 = arith.cmpi slt, %add3A_201, %lt3A_209 : i32
      %convert_element_type3A_211 = arith.extui %lt3A_210 : i1 to i32
      %cond3A_212 = arith.constant 0 : i32
      %cond3A_213 = arith.cmpi ne, %convert_element_type3A_211, %cond3A_212 : i32
      scf.if %cond3A_213 {
        %add3A_367 = arith.constant 2 : i32
        %add3A_368 = arith.addi %add3A_201, %add3A_367 : i32
        %dma_start3A_369 = arith.constant 0 : i32
        %dma_start3A_370 = tpu.memref_slice %arg5[%add3A_368, %dma_start3A_369] : memref<80x128xi32, #tpu.memory_space<vmem>> -> memref<1x128xi32, #tpu.memory_space<vmem>>
        %dma_start3A_371 = tpu.memref_squeeze %dma_start3A_370 : memref<1x128xi32, #tpu.memory_space<vmem>> -> memref<128xi32, #tpu.memory_space<vmem>>
        %dma_start3A_372 = arith.constant 0 : i32
        %dma_start3A_373 = arith.constant 0 : i32
        %dma_start3A_374 = tpu.memref_slice %arg3[%dma_start3A_372, %dma_start3A_373] : memref<10000x128xf32, #tpu.memory_space<hbm>> -> memref<10000x128xf32, #tpu.memory_space<hbm>>
        tpu.enqueue_indirect_dma source(%dma_start3A_374 : memref<10000x128xf32, #tpu.memory_space<hbm>>) target(%arg9 : memref<128x128xf32, #tpu.memory_space<vmem>>) offsets(%dma_start3A_371 : memref<128xi32, #tpu.memory_space<vmem>>) semaphore(%arg11 : memref<!tpu.dma_semaphore, #tpu.memory_space<semaphore_mem>>)
      } else {
      }
      %lt3A_214 = arith.constant 8 : i32
      %lt3A_215 = arith.cmpi slt, %mul3A_76, %lt3A_214 : i32
      %convert_element_type3A_216 = arith.extui %lt3A_215 : i1 to i32
      %cond3A_217 = arith.constant 0 : i32
      %cond3A_218 = arith.cmpi ne, %convert_element_type3A_216, %cond3A_217 : i32
      scf.if %cond3A_218 {
        %add3A_367 = arith.constant 2 : i32
        %add3A_368 = arith.addi %mul3A_76, %add3A_367 : i32
        %mul3A_369 = arith.constant 8 : i32
        %mul3A_370 = arith.muli %add3A_368, %mul3A_369 : i32
        %multiple_of3A_371 = tpu.assume_multiple %mul3A_370, 8 : i32
        %dma_start3A_372 = arith.constant 0 : i32
        %dma_start3A_373 = arith.constant 0 : i32
        %dma_start3A_374 = tpu.memref_slice %arg2[%dma_start3A_372, %add3A, %multiple_of3A_371, %dma_start3A_373] : memref<2x32x80x128xi32, #tpu.memory_space<hbm>> -> memref<1x1x8x128xi32, #tpu.memory_space<hbm>>
        %dma_start3A_375 = tpu.memref_squeeze %dma_start3A_374 : memref<1x1x8x128xi32, #tpu.memory_space<hbm>> -> memref<8x128xi32, #tpu.memory_space<hbm>>
        %dma_start3A_376 = arith.constant 0 : i32
        %dma_start3A_377 = tpu.memref_slice %arg2[%dma_start3A_372, %add3A, %multiple_of3A_371, %dma_start3A_376] : memref<2x32x80x128xi32, #tpu.memory_space<hbm>> -> memref<1x1x8x128xi32, #tpu.memory_space<hbm>>
        %dma_start3A_378 = tpu.memref_squeeze %dma_start3A_377 : memref<1x1x8x128xi32, #tpu.memory_space<hbm>> -> memref<8x128xi32, #tpu.memory_space<hbm>>
        tpu.enqueue_dma source(%dma_start3A_378 : memref<8x128xi32, #tpu.memory_space<hbm>>) target(%arg6 : memref<8x128xi32, #tpu.memory_space<vmem>>) target_semaphore(%arg14 : memref<!tpu.dma_semaphore, #tpu.memory_space<semaphore_mem>>)
      } else {
      }
      %mul3A_219 = arith.constant 2 : i32
      %mul3A_220 = arith.muli %mul3A_219, %scan3A_73 : i32
      %add3A_221 = arith.constant 1 : i32
      %add3A_222 = arith.addi %mul3A_220, %add3A_221 : i32
      %mul3A_223 = arith.constant 8 : i32
      %mul3A_224 = arith.muli %add3A_222, %mul3A_223 : i32
      %multiple_of3A_225 = tpu.assume_multiple %mul3A_224, 8 : i32
      %dma_wait3A_226 = arith.constant 0 : i32
      %dma_wait3A_227 = arith.constant 0 : i32
      %dma_wait3A_228 = tpu.memref_slice %arg2[%dma_wait3A_226, %add3A, %multiple_of3A_225, %dma_wait3A_227] : memref<2x32x80x128xi32, #tpu.memory_space<hbm>> -> memref<1x1x8x128xi32, #tpu.memory_space<hbm>>
      %dma_wait3A_229 = tpu.memref_squeeze %dma_wait3A_228 : memref<1x1x8x128xi32, #tpu.memory_space<hbm>> -> memref<8x128xi32, #tpu.memory_space<hbm>>
      %dma_wait3A_230 = arith.constant 0 : i32
      %dma_wait3A_231 = tpu.memref_slice %arg2[%dma_wait3A_226, %add3A, %multiple_of3A_225, %dma_wait3A_230] : memref<2x32x80x128xi32, #tpu.memory_space<hbm>> -> memref<1x1x8x128xi32, #tpu.memory_space<hbm>>
      %dma_wait3A_232 = tpu.memref_squeeze %dma_wait3A_231 : memref<1x1x8x128xi32, #tpu.memory_space<hbm>> -> memref<8x128xi32, #tpu.memory_space<hbm>>
      tpu.wait_dma2 semaphore(%arg15 : memref<!tpu.dma_semaphore, #tpu.memory_space<semaphore_mem>>) src(%dma_wait3A_232 : memref<8x128xi32, #tpu.memory_space<hbm>>) dst(%arg7 : memref<8x128xi32, #tpu.memory_space<vmem>>)
      %mul3A_233 = arith.constant 8 : i32
      %mul3A_234 = arith.muli %add3A_222, %mul3A_233 : i32
      %add3A_235 = arith.constant 0 : i32
      %add3A_236 = arith.addi %mul3A_234, %add3A_235 : i32
      %dma_wait3A_237 = arith.constant 0 : i32
      %dma_wait3A_238 = tpu.memref_slice %arg5[%add3A_236, %dma_wait3A_237] : memref<80x128xi32, #tpu.memory_space<vmem>> -> memref<1x128xi32, #tpu.memory_space<vmem>>
      %dma_wait3A_239 = tpu.memref_squeeze %dma_wait3A_238 : memref<1x128xi32, #tpu.memory_space<vmem>> -> memref<128xi32, #tpu.memory_space<vmem>>
      %dma_wait3A_240 = arith.constant 0 : i32
      %dma_wait3A_241 = arith.constant 0 : i32
      %dma_wait3A_242 = tpu.memref_slice %arg3[%dma_wait3A_240, %dma_wait3A_241] : memref<10000x128xf32, #tpu.memory_space<hbm>> -> memref<10000x128xf32, #tpu.memory_space<hbm>>
      tpu.wait_indirect_dma semaphore(%arg10 : memref<!tpu.dma_semaphore, #tpu.memory_space<semaphore_mem>>) src(%dma_wait3A_242 : memref<10000x128xf32, #tpu.memory_space<hbm>>) dst(%arg8 : memref<128x128xf32, #tpu.memory_space<vmem>>)
      %run_scoped3A_243 = arith.constant 0 : i32
      "tpu.region"() ({
        %run_scoped3A_367 = tpu.sem_alloc : memref<!tpu.dma_semaphore, #tpu.memory_space<semaphore_mem>>
        %dma_start3A_368 = arith.constant 0 : i32
        %dma_start3A_369 = tpu.memref_slice %arg7[%run_scoped3A_243, %dma_start3A_368] : memref<8x128xi32, #tpu.memory_space<vmem>> -> memref<1x128xi32, #tpu.memory_space<vmem>>
        %dma_start3A_370 = tpu.memref_squeeze %dma_start3A_369 : memref<1x128xi32, #tpu.memory_space<vmem>> -> memref<128xi32, #tpu.memory_space<vmem>>
        %dma_start3A_371 = arith.constant 0 : i32
        %dma_start3A_372 = arith.constant 0 : i32
        %dma_start3A_373 = tpu.memref_slice %arg17[%dma_start3A_371, %dma_start3A_372] : memref<10080x128xf32, #tpu.memory_space<vmem_shared>> -> memref<10080x128xf32, #tpu.memory_space<vmem_shared>>
        tpu.enqueue_indirect_dma source(%arg8 : memref<128x128xf32, #tpu.memory_space<vmem>>) target(%dma_start3A_373 : memref<10080x128xf32, #tpu.memory_space<vmem_shared>>) offsets(%dma_start3A_370 : memref<128xi32, #tpu.memory_space<vmem>>) semaphore(%run_scoped3A_367 : memref<!tpu.dma_semaphore, #tpu.memory_space<semaphore_mem>>) {add = true}
        %dma_wait3A_374 = arith.constant 0 : i32
        %dma_wait3A_375 = tpu.memref_slice %arg7[%run_scoped3A_243, %dma_wait3A_374] : memref<8x128xi32, #tpu.memory_space<vmem>> -> memref<1x128xi32, #tpu.memory_space<vmem>>
        %dma_wait3A_376 = tpu.memref_squeeze %dma_wait3A_375 : memref<1x128xi32, #tpu.memory_space<vmem>> -> memref<128xi32, #tpu.memory_space<vmem>>
        %dma_wait3A_377 = arith.constant 0 : i32
        %dma_wait3A_378 = arith.constant 0 : i32
        %dma_wait3A_379 = tpu.memref_slice %arg17[%dma_wait3A_377, %dma_wait3A_378] : memref<10080x128xf32, #tpu.memory_space<vmem_shared>> -> memref<10080x128xf32, #tpu.memory_space<vmem_shared>>
        tpu.wait_indirect_dma semaphore(%run_scoped3A_367 : memref<!tpu.dma_semaphore, #tpu.memory_space<semaphore_mem>>) src(%arg8 : memref<128x128xf32, #tpu.memory_space<vmem>>) dst(%dma_wait3A_379 : memref<10080x128xf32, #tpu.memory_space<vmem_shared>>)
        tpu.yield
      }) : () -> ()
      %lt3A_244 = arith.constant 78 : i32
      %lt3A_245 = arith.cmpi slt, %add3A_236, %lt3A_244 : i32
      %convert_element_type3A_246 = arith.extui %lt3A_245 : i1 to i32
      %cond3A_247 = arith.constant 0 : i32
      %cond3A_248 = arith.cmpi ne, %convert_element_type3A_246, %cond3A_247 : i32
      scf.if %cond3A_248 {
        %add3A_367 = arith.constant 2 : i32
        %add3A_368 = arith.addi %add3A_236, %add3A_367 : i32
        %dma_start3A_369 = arith.constant 0 : i32
        %dma_start3A_370 = tpu.memref_slice %arg5[%add3A_368, %dma_start3A_369] : memref<80x128xi32, #tpu.memory_space<vmem>> -> memref<1x128xi32, #tpu.memory_space<vmem>>
        %dma_start3A_371 = tpu.memref_squeeze %dma_start3A_370 : memref<1x128xi32, #tpu.memory_space<vmem>> -> memref<128xi32, #tpu.memory_space<vmem>>
        %dma_start3A_372 = arith.constant 0 : i32
        %dma_start3A_373 = arith.constant 0 : i32
        %dma_start3A_374 = tpu.memref_slice %arg3[%dma_start3A_372, %dma_start3A_373] : memref<10000x128xf32, #tpu.memory_space<hbm>> -> memref<10000x128xf32, #tpu.memory_space<hbm>>
        tpu.enqueue_indirect_dma source(%dma_start3A_374 : memref<10000x128xf32, #tpu.memory_space<hbm>>) target(%arg8 : memref<128x128xf32, #tpu.memory_space<vmem>>) offsets(%dma_start3A_371 : memref<128xi32, #tpu.memory_space<vmem>>) semaphore(%arg10 : memref<!tpu.dma_semaphore, #tpu.memory_space<semaphore_mem>>)
      } else {
      }
      %mul3A_249 = arith.constant 8 : i32
      %mul3A_250 = arith.muli %add3A_222, %mul3A_249 : i32
      %add3A_251 = arith.constant 1 : i32
      %add3A_252 = arith.addi %mul3A_250, %add3A_251 : i32
      %dma_wait3A_253 = arith.constant 0 : i32
      %dma_wait3A_254 = tpu.memref_slice %arg5[%add3A_252, %dma_wait3A_253] : memref<80x128xi32, #tpu.memory_space<vmem>> -> memref<1x128xi32, #tpu.memory_space<vmem>>
      %dma_wait3A_255 = tpu.memref_squeeze %dma_wait3A_254 : memref<1x128xi32, #tpu.memory_space<vmem>> -> memref<128xi32, #tpu.memory_space<vmem>>
      %dma_wait3A_256 = arith.constant 0 : i32
      %dma_wait3A_257 = arith.constant 0 : i32
      %dma_wait3A_258 = tpu.memref_slice %arg3[%dma_wait3A_256, %dma_wait3A_257] : memref<10000x128xf32, #tpu.memory_space<hbm>> -> memref<10000x128xf32, #tpu.memory_space<hbm>>
      tpu.wait_indirect_dma semaphore(%arg11 : memref<!tpu.dma_semaphore, #tpu.memory_space<semaphore_mem>>) src(%dma_wait3A_258 : memref<10000x128xf32, #tpu.memory_space<hbm>>) dst(%arg9 : memref<128x128xf32, #tpu.memory_space<vmem>>)
      %run_scoped3A_259 = arith.constant 1 : i32
      "tpu.region"() ({
        %run_scoped3A_367 = tpu.sem_alloc : memref<!tpu.dma_semaphore, #tpu.memory_space<semaphore_mem>>
        %dma_start3A_368 = arith.constant 0 : i32
        %dma_start3A_369 = tpu.memref_slice %arg7[%run_scoped3A_259, %dma_start3A_368] : memref<8x128xi32, #tpu.memory_space<vmem>> -> memref<1x128xi32, #tpu.memory_space<vmem>>
        %dma_start3A_370 = tpu.memref_squeeze %dma_start3A_369 : memref<1x128xi32, #tpu.memory_space<vmem>> -> memref<128xi32, #tpu.memory_space<vmem>>
        %dma_start3A_371 = arith.constant 0 : i32
        %dma_start3A_372 = arith.constant 0 : i32
        %dma_start3A_373 = tpu.memref_slice %arg17[%dma_start3A_371, %dma_start3A_372] : memref<10080x128xf32, #tpu.memory_space<vmem_shared>> -> memref<10080x128xf32, #tpu.memory_space<vmem_shared>>
        tpu.enqueue_indirect_dma source(%arg9 : memref<128x128xf32, #tpu.memory_space<vmem>>) target(%dma_start3A_373 : memref<10080x128xf32, #tpu.memory_space<vmem_shared>>) offsets(%dma_start3A_370 : memref<128xi32, #tpu.memory_space<vmem>>) semaphore(%run_scoped3A_367 : memref<!tpu.dma_semaphore, #tpu.memory_space<semaphore_mem>>) {add = true}
        %dma_wait3A_374 = arith.constant 0 : i32
        %dma_wait3A_375 = tpu.memref_slice %arg7[%run_scoped3A_259, %dma_wait3A_374] : memref<8x128xi32, #tpu.memory_space<vmem>> -> memref<1x128xi32, #tpu.memory_space<vmem>>
        %dma_wait3A_376 = tpu.memref_squeeze %dma_wait3A_375 : memref<1x128xi32, #tpu.memory_space<vmem>> -> memref<128xi32, #tpu.memory_space<vmem>>
        %dma_wait3A_377 = arith.constant 0 : i32
        %dma_wait3A_378 = arith.constant 0 : i32
        %dma_wait3A_379 = tpu.memref_slice %arg17[%dma_wait3A_377, %dma_wait3A_378] : memref<10080x128xf32, #tpu.memory_space<vmem_shared>> -> memref<10080x128xf32, #tpu.memory_space<vmem_shared>>
        tpu.wait_indirect_dma semaphore(%run_scoped3A_367 : memref<!tpu.dma_semaphore, #tpu.memory_space<semaphore_mem>>) src(%arg9 : memref<128x128xf32, #tpu.memory_space<vmem>>) dst(%dma_wait3A_379 : memref<10080x128xf32, #tpu.memory_space<vmem_shared>>)
        tpu.yield
      }) : () -> ()
      %lt3A_260 = arith.constant 78 : i32
      %lt3A_261 = arith.cmpi slt, %add3A_252, %lt3A_260 : i32
      %convert_element_type3A_262 = arith.extui %lt3A_261 : i1 to i32
      %cond3A_263 = arith.constant 0 : i32
      %cond3A_264 = arith.cmpi ne, %convert_element_type3A_262, %cond3A_263 : i32
      scf.if %cond3A_264 {
        %add3A_367 = arith.constant 2 : i32
        %add3A_368 = arith.addi %add3A_252, %add3A_367 : i32
        %dma_start3A_369 = arith.constant 0 : i32
        %dma_start3A_370 = tpu.memref_slice %arg5[%add3A_368, %dma_start3A_369] : memref<80x128xi32, #tpu.memory_space<vmem>> -> memref<1x128xi32, #tpu.memory_space<vmem>>
        %dma_start3A_371 = tpu.memref_squeeze %dma_start3A_370 : memref<1x128xi32, #tpu.memory_space<vmem>> -> memref<128xi32, #tpu.memory_space<vmem>>
        %dma_start3A_372 = arith.constant 0 : i32
        %dma_start3A_373 = arith.constant 0 : i32
        %dma_start3A_374 = tpu.memref_slice %arg3[%dma_start3A_372, %dma_start3A_373] : memref<10000x128xf32, #tpu.memory_space<hbm>> -> memref<10000x128xf32, #tpu.memory_space<hbm>>
        tpu.enqueue_indirect_dma source(%dma_start3A_374 : memref<10000x128xf32, #tpu.memory_space<hbm>>) target(%arg9 : memref<128x128xf32, #tpu.memory_space<vmem>>) offsets(%dma_start3A_371 : memref<128xi32, #tpu.memory_space<vmem>>) semaphore(%arg11 : memref<!tpu.dma_semaphore, #tpu.memory_space<semaphore_mem>>)
      } else {
      }
      %mul3A_265 = arith.constant 8 : i32
      %mul3A_266 = arith.muli %add3A_222, %mul3A_265 : i32
      %add3A_267 = arith.constant 2 : i32
      %add3A_268 = arith.addi %mul3A_266, %add3A_267 : i32
      %dma_wait3A_269 = arith.constant 0 : i32
      %dma_wait3A_270 = tpu.memref_slice %arg5[%add3A_268, %dma_wait3A_269] : memref<80x128xi32, #tpu.memory_space<vmem>> -> memref<1x128xi32, #tpu.memory_space<vmem>>
      %dma_wait3A_271 = tpu.memref_squeeze %dma_wait3A_270 : memref<1x128xi32, #tpu.memory_space<vmem>> -> memref<128xi32, #tpu.memory_space<vmem>>
      %dma_wait3A_272 = arith.constant 0 : i32
      %dma_wait3A_273 = arith.constant 0 : i32
      %dma_wait3A_274 = tpu.memref_slice %arg3[%dma_wait3A_272, %dma_wait3A_273] : memref<10000x128xf32, #tpu.memory_space<hbm>> -> memref<10000x128xf32, #tpu.memory_space<hbm>>
      tpu.wait_indirect_dma semaphore(%arg10 : memref<!tpu.dma_semaphore, #tpu.memory_space<semaphore_mem>>) src(%dma_wait3A_274 : memref<10000x128xf32, #tpu.memory_space<hbm>>) dst(%arg8 : memref<128x128xf32, #tpu.memory_space<vmem>>)
      %run_scoped3A_275 = arith.constant 2 : i32
      "tpu.region"() ({
        %run_scoped3A_367 = tpu.sem_alloc : memref<!tpu.dma_semaphore, #tpu.memory_space<semaphore_mem>>
        %dma_start3A_368 = arith.constant 0 : i32
        %dma_start3A_369 = tpu.memref_slice %arg7[%run_scoped3A_275, %dma_start3A_368] : memref<8x128xi32, #tpu.memory_space<vmem>> -> memref<1x128xi32, #tpu.memory_space<vmem>>
        %dma_start3A_370 = tpu.memref_squeeze %dma_start3A_369 : memref<1x128xi32, #tpu.memory_space<vmem>> -> memref<128xi32, #tpu.memory_space<vmem>>
        %dma_start3A_371 = arith.constant 0 : i32
        %dma_start3A_372 = arith.constant 0 : i32
        %dma_start3A_373 = tpu.memref_slice %arg17[%dma_start3A_371, %dma_start3A_372] : memref<10080x128xf32, #tpu.memory_space<vmem_shared>> -> memref<10080x128xf32, #tpu.memory_space<vmem_shared>>
        tpu.enqueue_indirect_dma source(%arg8 : memref<128x128xf32, #tpu.memory_space<vmem>>) target(%dma_start3A_373 : memref<10080x128xf32, #tpu.memory_space<vmem_shared>>) offsets(%dma_start3A_370 : memref<128xi32, #tpu.memory_space<vmem>>) semaphore(%run_scoped3A_367 : memref<!tpu.dma_semaphore, #tpu.memory_space<semaphore_mem>>) {add = true}
        %dma_wait3A_374 = arith.constant 0 : i32
        %dma_wait3A_375 = tpu.memref_slice %arg7[%run_scoped3A_275, %dma_wait3A_374] : memref<8x128xi32, #tpu.memory_space<vmem>> -> memref<1x128xi32, #tpu.memory_space<vmem>>
        %dma_wait3A_376 = tpu.memref_squeeze %dma_wait3A_375 : memref<1x128xi32, #tpu.memory_space<vmem>> -> memref<128xi32, #tpu.memory_space<vmem>>
        %dma_wait3A_377 = arith.constant 0 : i32
        %dma_wait3A_378 = arith.constant 0 : i32
        %dma_wait3A_379 = tpu.memref_slice %arg17[%dma_wait3A_377, %dma_wait3A_378] : memref<10080x128xf32, #tpu.memory_space<vmem_shared>> -> memref<10080x128xf32, #tpu.memory_space<vmem_shared>>
        tpu.wait_indirect_dma semaphore(%run_scoped3A_367 : memref<!tpu.dma_semaphore, #tpu.memory_space<semaphore_mem>>) src(%arg8 : memref<128x128xf32, #tpu.memory_space<vmem>>) dst(%dma_wait3A_379 : memref<10080x128xf32, #tpu.memory_space<vmem_shared>>)
        tpu.yield
      }) : () -> ()
      %lt3A_276 = arith.constant 78 : i32
      %lt3A_277 = arith.cmpi slt, %add3A_268, %lt3A_276 : i32
      %convert_element_type3A_278 = arith.extui %lt3A_277 : i1 to i32
      %cond3A_279 = arith.constant 0 : i32
      %cond3A_280 = arith.cmpi ne, %convert_element_type3A_278, %cond3A_279 : i32
      scf.if %cond3A_280 {
        %add3A_367 = arith.constant 2 : i32
        %add3A_368 = arith.addi %add3A_268, %add3A_367 : i32
        %dma_start3A_369 = arith.constant 0 : i32
        %dma_start3A_370 = tpu.memref_slice %arg5[%add3A_368, %dma_start3A_369] : memref<80x128xi32, #tpu.memory_space<vmem>> -> memref<1x128xi32, #tpu.memory_space<vmem>>
        %dma_start3A_371 = tpu.memref_squeeze %dma_start3A_370 : memref<1x128xi32, #tpu.memory_space<vmem>> -> memref<128xi32, #tpu.memory_space<vmem>>
        %dma_start3A_372 = arith.constant 0 : i32
        %dma_start3A_373 = arith.constant 0 : i32
        %dma_start3A_374 = tpu.memref_slice %arg3[%dma_start3A_372, %dma_start3A_373] : memref<10000x128xf32, #tpu.memory_space<hbm>> -> memref<10000x128xf32, #tpu.memory_space<hbm>>
        tpu.enqueue_indirect_dma source(%dma_start3A_374 : memref<10000x128xf32, #tpu.memory_space<hbm>>) target(%arg8 : memref<128x128xf32, #tpu.memory_space<vmem>>) offsets(%dma_start3A_371 : memref<128xi32, #tpu.memory_space<vmem>>) semaphore(%arg10 : memref<!tpu.dma_semaphore, #tpu.memory_space<semaphore_mem>>)
      } else {
      }
      %mul3A_281 = arith.constant 8 : i32
      %mul3A_282 = arith.muli %add3A_222, %mul3A_281 : i32
      %add3A_283 = arith.constant 3 : i32
      %add3A_284 = arith.addi %mul3A_282, %add3A_283 : i32
      %dma_wait3A_285 = arith.constant 0 : i32
      %dma_wait3A_286 = tpu.memref_slice %arg5[%add3A_284, %dma_wait3A_285] : memref<80x128xi32, #tpu.memory_space<vmem>> -> memref<1x128xi32, #tpu.memory_space<vmem>>
      %dma_wait3A_287 = tpu.memref_squeeze %dma_wait3A_286 : memref<1x128xi32, #tpu.memory_space<vmem>> -> memref<128xi32, #tpu.memory_space<vmem>>
      %dma_wait3A_288 = arith.constant 0 : i32
      %dma_wait3A_289 = arith.constant 0 : i32
      %dma_wait3A_290 = tpu.memref_slice %arg3[%dma_wait3A_288, %dma_wait3A_289] : memref<10000x128xf32, #tpu.memory_space<hbm>> -> memref<10000x128xf32, #tpu.memory_space<hbm>>
      tpu.wait_indirect_dma semaphore(%arg11 : memref<!tpu.dma_semaphore, #tpu.memory_space<semaphore_mem>>) src(%dma_wait3A_290 : memref<10000x128xf32, #tpu.memory_space<hbm>>) dst(%arg9 : memref<128x128xf32, #tpu.memory_space<vmem>>)
      %run_scoped3A_291 = arith.constant 3 : i32
      "tpu.region"() ({
        %run_scoped3A_367 = tpu.sem_alloc : memref<!tpu.dma_semaphore, #tpu.memory_space<semaphore_mem>>
        %dma_start3A_368 = arith.constant 0 : i32
        %dma_start3A_369 = tpu.memref_slice %arg7[%run_scoped3A_291, %dma_start3A_368] : memref<8x128xi32, #tpu.memory_space<vmem>> -> memref<1x128xi32, #tpu.memory_space<vmem>>
        %dma_start3A_370 = tpu.memref_squeeze %dma_start3A_369 : memref<1x128xi32, #tpu.memory_space<vmem>> -> memref<128xi32, #tpu.memory_space<vmem>>
        %dma_start3A_371 = arith.constant 0 : i32
        %dma_start3A_372 = arith.constant 0 : i32
        %dma_start3A_373 = tpu.memref_slice %arg17[%dma_start3A_371, %dma_start3A_372] : memref<10080x128xf32, #tpu.memory_space<vmem_shared>> -> memref<10080x128xf32, #tpu.memory_space<vmem_shared>>
        tpu.enqueue_indirect_dma source(%arg9 : memref<128x128xf32, #tpu.memory_space<vmem>>) target(%dma_start3A_373 : memref<10080x128xf32, #tpu.memory_space<vmem_shared>>) offsets(%dma_start3A_370 : memref<128xi32, #tpu.memory_space<vmem>>) semaphore(%run_scoped3A_367 : memref<!tpu.dma_semaphore, #tpu.memory_space<semaphore_mem>>) {add = true}
        %dma_wait3A_374 = arith.constant 0 : i32
        %dma_wait3A_375 = tpu.memref_slice %arg7[%run_scoped3A_291, %dma_wait3A_374] : memref<8x128xi32, #tpu.memory_space<vmem>> -> memref<1x128xi32, #tpu.memory_space<vmem>>
        %dma_wait3A_376 = tpu.memref_squeeze %dma_wait3A_375 : memref<1x128xi32, #tpu.memory_space<vmem>> -> memref<128xi32, #tpu.memory_space<vmem>>
        %dma_wait3A_377 = arith.constant 0 : i32
        %dma_wait3A_378 = arith.constant 0 : i32
        %dma_wait3A_379 = tpu.memref_slice %arg17[%dma_wait3A_377, %dma_wait3A_378] : memref<10080x128xf32, #tpu.memory_space<vmem_shared>> -> memref<10080x128xf32, #tpu.memory_space<vmem_shared>>
        tpu.wait_indirect_dma semaphore(%run_scoped3A_367 : memref<!tpu.dma_semaphore, #tpu.memory_space<semaphore_mem>>) src(%arg9 : memref<128x128xf32, #tpu.memory_space<vmem>>) dst(%dma_wait3A_379 : memref<10080x128xf32, #tpu.memory_space<vmem_shared>>)
        tpu.yield
      }) : () -> ()
      %lt3A_292 = arith.constant 78 : i32
      %lt3A_293 = arith.cmpi slt, %add3A_284, %lt3A_292 : i32
      %convert_element_type3A_294 = arith.extui %lt3A_293 : i1 to i32
      %cond3A_295 = arith.constant 0 : i32
      %cond3A_296 = arith.cmpi ne, %convert_element_type3A_294, %cond3A_295 : i32
      scf.if %cond3A_296 {
        %add3A_367 = arith.constant 2 : i32
        %add3A_368 = arith.addi %add3A_284, %add3A_367 : i32
        %dma_start3A_369 = arith.constant 0 : i32
        %dma_start3A_370 = tpu.memref_slice %arg5[%add3A_368, %dma_start3A_369] : memref<80x128xi32, #tpu.memory_space<vmem>> -> memref<1x128xi32, #tpu.memory_space<vmem>>
        %dma_start3A_371 = tpu.memref_squeeze %dma_start3A_370 : memref<1x128xi32, #tpu.memory_space<vmem>> -> memref<128xi32, #tpu.memory_space<vmem>>
        %dma_start3A_372 = arith.constant 0 : i32
        %dma_start3A_373 = arith.constant 0 : i32
        %dma_start3A_374 = tpu.memref_slice %arg3[%dma_start3A_372, %dma_start3A_373] : memref<10000x128xf32, #tpu.memory_space<hbm>> -> memref<10000x128xf32, #tpu.memory_space<hbm>>
        tpu.enqueue_indirect_dma source(%dma_start3A_374 : memref<10000x128xf32, #tpu.memory_space<hbm>>) target(%arg9 : memref<128x128xf32, #tpu.memory_space<vmem>>) offsets(%dma_start3A_371 : memref<128xi32, #tpu.memory_space<vmem>>) semaphore(%arg11 : memref<!tpu.dma_semaphore, #tpu.memory_space<semaphore_mem>>)
      } else {
      }
      %mul3A_297 = arith.constant 8 : i32
      %mul3A_298 = arith.muli %add3A_222, %mul3A_297 : i32
      %add3A_299 = arith.constant 4 : i32
      %add3A_300 = arith.addi %mul3A_298, %add3A_299 : i32
      %dma_wait3A_301 = arith.constant 0 : i32
      %dma_wait3A_302 = tpu.memref_slice %arg5[%add3A_300, %dma_wait3A_301] : memref<80x128xi32, #tpu.memory_space<vmem>> -> memref<1x128xi32, #tpu.memory_space<vmem>>
      %dma_wait3A_303 = tpu.memref_squeeze %dma_wait3A_302 : memref<1x128xi32, #tpu.memory_space<vmem>> -> memref<128xi32, #tpu.memory_space<vmem>>
      %dma_wait3A_304 = arith.constant 0 : i32
      %dma_wait3A_305 = arith.constant 0 : i32
      %dma_wait3A_306 = tpu.memref_slice %arg3[%dma_wait3A_304, %dma_wait3A_305] : memref<10000x128xf32, #tpu.memory_space<hbm>> -> memref<10000x128xf32, #tpu.memory_space<hbm>>
      tpu.wait_indirect_dma semaphore(%arg10 : memref<!tpu.dma_semaphore, #tpu.memory_space<semaphore_mem>>) src(%dma_wait3A_306 : memref<10000x128xf32, #tpu.memory_space<hbm>>) dst(%arg8 : memref<128x128xf32, #tpu.memory_space<vmem>>)
      %run_scoped3A_307 = arith.constant 4 : i32
      "tpu.region"() ({
        %run_scoped3A_367 = tpu.sem_alloc : memref<!tpu.dma_semaphore, #tpu.memory_space<semaphore_mem>>
        %dma_start3A_368 = arith.constant 0 : i32
        %dma_start3A_369 = tpu.memref_slice %arg7[%run_scoped3A_307, %dma_start3A_368] : memref<8x128xi32, #tpu.memory_space<vmem>> -> memref<1x128xi32, #tpu.memory_space<vmem>>
        %dma_start3A_370 = tpu.memref_squeeze %dma_start3A_369 : memref<1x128xi32, #tpu.memory_space<vmem>> -> memref<128xi32, #tpu.memory_space<vmem>>
        %dma_start3A_371 = arith.constant 0 : i32
        %dma_start3A_372 = arith.constant 0 : i32
        %dma_start3A_373 = tpu.memref_slice %arg17[%dma_start3A_371, %dma_start3A_372] : memref<10080x128xf32, #tpu.memory_space<vmem_shared>> -> memref<10080x128xf32, #tpu.memory_space<vmem_shared>>
        tpu.enqueue_indirect_dma source(%arg8 : memref<128x128xf32, #tpu.memory_space<vmem>>) target(%dma_start3A_373 : memref<10080x128xf32, #tpu.memory_space<vmem_shared>>) offsets(%dma_start3A_370 : memref<128xi32, #tpu.memory_space<vmem>>) semaphore(%run_scoped3A_367 : memref<!tpu.dma_semaphore, #tpu.memory_space<semaphore_mem>>) {add = true}
        %dma_wait3A_374 = arith.constant 0 : i32
        %dma_wait3A_375 = tpu.memref_slice %arg7[%run_scoped3A_307, %dma_wait3A_374] : memref<8x128xi32, #tpu.memory_space<vmem>> -> memref<1x128xi32, #tpu.memory_space<vmem>>
        %dma_wait3A_376 = tpu.memref_squeeze %dma_wait3A_375 : memref<1x128xi32, #tpu.memory_space<vmem>> -> memref<128xi32, #tpu.memory_space<vmem>>
        %dma_wait3A_377 = arith.constant 0 : i32
        %dma_wait3A_378 = arith.constant 0 : i32
        %dma_wait3A_379 = tpu.memref_slice %arg17[%dma_wait3A_377, %dma_wait3A_378] : memref<10080x128xf32, #tpu.memory_space<vmem_shared>> -> memref<10080x128xf32, #tpu.memory_space<vmem_shared>>
        tpu.wait_indirect_dma semaphore(%run_scoped3A_367 : memref<!tpu.dma_semaphore, #tpu.memory_space<semaphore_mem>>) src(%arg8 : memref<128x128xf32, #tpu.memory_space<vmem>>) dst(%dma_wait3A_379 : memref<10080x128xf32, #tpu.memory_space<vmem_shared>>)
        tpu.yield
      }) : () -> ()
      %lt3A_308 = arith.constant 78 : i32
      %lt3A_309 = arith.cmpi slt, %add3A_300, %lt3A_308 : i32
      %convert_element_type3A_310 = arith.extui %lt3A_309 : i1 to i32
      %cond3A_311 = arith.constant 0 : i32
      %cond3A_312 = arith.cmpi ne, %convert_element_type3A_310, %cond3A_311 : i32
      scf.if %cond3A_312 {
        %add3A_367 = arith.constant 2 : i32
        %add3A_368 = arith.addi %add3A_300, %add3A_367 : i32
        %dma_start3A_369 = arith.constant 0 : i32
        %dma_start3A_370 = tpu.memref_slice %arg5[%add3A_368, %dma_start3A_369] : memref<80x128xi32, #tpu.memory_space<vmem>> -> memref<1x128xi32, #tpu.memory_space<vmem>>
        %dma_start3A_371 = tpu.memref_squeeze %dma_start3A_370 : memref<1x128xi32, #tpu.memory_space<vmem>> -> memref<128xi32, #tpu.memory_space<vmem>>
        %dma_start3A_372 = arith.constant 0 : i32
        %dma_start3A_373 = arith.constant 0 : i32
        %dma_start3A_374 = tpu.memref_slice %arg3[%dma_start3A_372, %dma_start3A_373] : memref<10000x128xf32, #tpu.memory_space<hbm>> -> memref<10000x128xf32, #tpu.memory_space<hbm>>
        tpu.enqueue_indirect_dma source(%dma_start3A_374 : memref<10000x128xf32, #tpu.memory_space<hbm>>) target(%arg8 : memref<128x128xf32, #tpu.memory_space<vmem>>) offsets(%dma_start3A_371 : memref<128xi32, #tpu.memory_space<vmem>>) semaphore(%arg10 : memref<!tpu.dma_semaphore, #tpu.memory_space<semaphore_mem>>)
      } else {
      }
      %mul3A_313 = arith.constant 8 : i32
      %mul3A_314 = arith.muli %add3A_222, %mul3A_313 : i32
      %add3A_315 = arith.constant 5 : i32
      %add3A_316 = arith.addi %mul3A_314, %add3A_315 : i32
      %dma_wait3A_317 = arith.constant 0 : i32
      %dma_wait3A_318 = tpu.memref_slice %arg5[%add3A_316, %dma_wait3A_317] : memref<80x128xi32, #tpu.memory_space<vmem>> -> memref<1x128xi32, #tpu.memory_space<vmem>>
      %dma_wait3A_319 = tpu.memref_squeeze %dma_wait3A_318 : memref<1x128xi32, #tpu.memory_space<vmem>> -> memref<128xi32, #tpu.memory_space<vmem>>
      %dma_wait3A_320 = arith.constant 0 : i32
      %dma_wait3A_321 = arith.constant 0 : i32
      %dma_wait3A_322 = tpu.memref_slice %arg3[%dma_wait3A_320, %dma_wait3A_321] : memref<10000x128xf32, #tpu.memory_space<hbm>> -> memref<10000x128xf32, #tpu.memory_space<hbm>>
      tpu.wait_indirect_dma semaphore(%arg11 : memref<!tpu.dma_semaphore, #tpu.memory_space<semaphore_mem>>) src(%dma_wait3A_322 : memref<10000x128xf32, #tpu.memory_space<hbm>>) dst(%arg9 : memref<128x128xf32, #tpu.memory_space<vmem>>)
      %run_scoped3A_323 = arith.constant 5 : i32
      "tpu.region"() ({
        %run_scoped3A_367 = tpu.sem_alloc : memref<!tpu.dma_semaphore, #tpu.memory_space<semaphore_mem>>
        %dma_start3A_368 = arith.constant 0 : i32
        %dma_start3A_369 = tpu.memref_slice %arg7[%run_scoped3A_323, %dma_start3A_368] : memref<8x128xi32, #tpu.memory_space<vmem>> -> memref<1x128xi32, #tpu.memory_space<vmem>>
        %dma_start3A_370 = tpu.memref_squeeze %dma_start3A_369 : memref<1x128xi32, #tpu.memory_space<vmem>> -> memref<128xi32, #tpu.memory_space<vmem>>
        %dma_start3A_371 = arith.constant 0 : i32
        %dma_start3A_372 = arith.constant 0 : i32
        %dma_start3A_373 = tpu.memref_slice %arg17[%dma_start3A_371, %dma_start3A_372] : memref<10080x128xf32, #tpu.memory_space<vmem_shared>> -> memref<10080x128xf32, #tpu.memory_space<vmem_shared>>
        tpu.enqueue_indirect_dma source(%arg9 : memref<128x128xf32, #tpu.memory_space<vmem>>) target(%dma_start3A_373 : memref<10080x128xf32, #tpu.memory_space<vmem_shared>>) offsets(%dma_start3A_370 : memref<128xi32, #tpu.memory_space<vmem>>) semaphore(%run_scoped3A_367 : memref<!tpu.dma_semaphore, #tpu.memory_space<semaphore_mem>>) {add = true}
        %dma_wait3A_374 = arith.constant 0 : i32
        %dma_wait3A_375 = tpu.memref_slice %arg7[%run_scoped3A_323, %dma_wait3A_374] : memref<8x128xi32, #tpu.memory_space<vmem>> -> memref<1x128xi32, #tpu.memory_space<vmem>>
        %dma_wait3A_376 = tpu.memref_squeeze %dma_wait3A_375 : memref<1x128xi32, #tpu.memory_space<vmem>> -> memref<128xi32, #tpu.memory_space<vmem>>
        %dma_wait3A_377 = arith.constant 0 : i32
        %dma_wait3A_378 = arith.constant 0 : i32
        %dma_wait3A_379 = tpu.memref_slice %arg17[%dma_wait3A_377, %dma_wait3A_378] : memref<10080x128xf32, #tpu.memory_space<vmem_shared>> -> memref<10080x128xf32, #tpu.memory_space<vmem_shared>>
        tpu.wait_indirect_dma semaphore(%run_scoped3A_367 : memref<!tpu.dma_semaphore, #tpu.memory_space<semaphore_mem>>) src(%arg9 : memref<128x128xf32, #tpu.memory_space<vmem>>) dst(%dma_wait3A_379 : memref<10080x128xf32, #tpu.memory_space<vmem_shared>>)
        tpu.yield
      }) : () -> ()
      %lt3A_324 = arith.constant 78 : i32
      %lt3A_325 = arith.cmpi slt, %add3A_316, %lt3A_324 : i32
      %convert_element_type3A_326 = arith.extui %lt3A_325 : i1 to i32
      %cond3A_327 = arith.constant 0 : i32
      %cond3A_328 = arith.cmpi ne, %convert_element_type3A_326, %cond3A_327 : i32
      scf.if %cond3A_328 {
        %add3A_367 = arith.constant 2 : i32
        %add3A_368 = arith.addi %add3A_316, %add3A_367 : i32
        %dma_start3A_369 = arith.constant 0 : i32
        %dma_start3A_370 = tpu.memref_slice %arg5[%add3A_368, %dma_start3A_369] : memref<80x128xi32, #tpu.memory_space<vmem>> -> memref<1x128xi32, #tpu.memory_space<vmem>>
        %dma_start3A_371 = tpu.memref_squeeze %dma_start3A_370 : memref<1x128xi32, #tpu.memory_space<vmem>> -> memref<128xi32, #tpu.memory_space<vmem>>
        %dma_start3A_372 = arith.constant 0 : i32
        %dma_start3A_373 = arith.constant 0 : i32
        %dma_start3A_374 = tpu.memref_slice %arg3[%dma_start3A_372, %dma_start3A_373] : memref<10000x128xf32, #tpu.memory_space<hbm>> -> memref<10000x128xf32, #tpu.memory_space<hbm>>
        tpu.enqueue_indirect_dma source(%dma_start3A_374 : memref<10000x128xf32, #tpu.memory_space<hbm>>) target(%arg9 : memref<128x128xf32, #tpu.memory_space<vmem>>) offsets(%dma_start3A_371 : memref<128xi32, #tpu.memory_space<vmem>>) semaphore(%arg11 : memref<!tpu.dma_semaphore, #tpu.memory_space<semaphore_mem>>)
      } else {
      }
      %mul3A_329 = arith.constant 8 : i32
      %mul3A_330 = arith.muli %add3A_222, %mul3A_329 : i32
      %add3A_331 = arith.constant 6 : i32
      %add3A_332 = arith.addi %mul3A_330, %add3A_331 : i32
      %dma_wait3A_333 = arith.constant 0 : i32
      %dma_wait3A_334 = tpu.memref_slice %arg5[%add3A_332, %dma_wait3A_333] : memref<80x128xi32, #tpu.memory_space<vmem>> -> memref<1x128xi32, #tpu.memory_space<vmem>>
      %dma_wait3A_335 = tpu.memref_squeeze %dma_wait3A_334 : memref<1x128xi32, #tpu.memory_space<vmem>> -> memref<128xi32, #tpu.memory_space<vmem>>
      %dma_wait3A_336 = arith.constant 0 : i32
      %dma_wait3A_337 = arith.constant 0 : i32
      %dma_wait3A_338 = tpu.memref_slice %arg3[%dma_wait3A_336, %dma_wait3A_337] : memref<10000x128xf32, #tpu.memory_space<hbm>> -> memref<10000x128xf32, #tpu.memory_space<hbm>>
      tpu.wait_indirect_dma semaphore(%arg10 : memref<!tpu.dma_semaphore, #tpu.memory_space<semaphore_mem>>) src(%dma_wait3A_338 : memref<10000x128xf32, #tpu.memory_space<hbm>>) dst(%arg8 : memref<128x128xf32, #tpu.memory_space<vmem>>)
      %run_scoped3A_339 = arith.constant 6 : i32
      "tpu.region"() ({
        %run_scoped3A_367 = tpu.sem_alloc : memref<!tpu.dma_semaphore, #tpu.memory_space<semaphore_mem>>
        %dma_start3A_368 = arith.constant 0 : i32
        %dma_start3A_369 = tpu.memref_slice %arg7[%run_scoped3A_339, %dma_start3A_368] : memref<8x128xi32, #tpu.memory_space<vmem>> -> memref<1x128xi32, #tpu.memory_space<vmem>>
        %dma_start3A_370 = tpu.memref_squeeze %dma_start3A_369 : memref<1x128xi32, #tpu.memory_space<vmem>> -> memref<128xi32, #tpu.memory_space<vmem>>
        %dma_start3A_371 = arith.constant 0 : i32
        %dma_start3A_372 = arith.constant 0 : i32
        %dma_start3A_373 = tpu.memref_slice %arg17[%dma_start3A_371, %dma_start3A_372] : memref<10080x128xf32, #tpu.memory_space<vmem_shared>> -> memref<10080x128xf32, #tpu.memory_space<vmem_shared>>
        tpu.enqueue_indirect_dma source(%arg8 : memref<128x128xf32, #tpu.memory_space<vmem>>) target(%dma_start3A_373 : memref<10080x128xf32, #tpu.memory_space<vmem_shared>>) offsets(%dma_start3A_370 : memref<128xi32, #tpu.memory_space<vmem>>) semaphore(%run_scoped3A_367 : memref<!tpu.dma_semaphore, #tpu.memory_space<semaphore_mem>>) {add = true}
        %dma_wait3A_374 = arith.constant 0 : i32
        %dma_wait3A_375 = tpu.memref_slice %arg7[%run_scoped3A_339, %dma_wait3A_374] : memref<8x128xi32, #tpu.memory_space<vmem>> -> memref<1x128xi32, #tpu.memory_space<vmem>>
        %dma_wait3A_376 = tpu.memref_squeeze %dma_wait3A_375 : memref<1x128xi32, #tpu.memory_space<vmem>> -> memref<128xi32, #tpu.memory_space<vmem>>
        %dma_wait3A_377 = arith.constant 0 : i32
        %dma_wait3A_378 = arith.constant 0 : i32
        %dma_wait3A_379 = tpu.memref_slice %arg17[%dma_wait3A_377, %dma_wait3A_378] : memref<10080x128xf32, #tpu.memory_space<vmem_shared>> -> memref<10080x128xf32, #tpu.memory_space<vmem_shared>>
        tpu.wait_indirect_dma semaphore(%run_scoped3A_367 : memref<!tpu.dma_semaphore, #tpu.memory_space<semaphore_mem>>) src(%arg8 : memref<128x128xf32, #tpu.memory_space<vmem>>) dst(%dma_wait3A_379 : memref<10080x128xf32, #tpu.memory_space<vmem_shared>>)
        tpu.yield
      }) : () -> ()
      %lt3A_340 = arith.constant 78 : i32
      %lt3A_341 = arith.cmpi slt, %add3A_332, %lt3A_340 : i32
      %convert_element_type3A_342 = arith.extui %lt3A_341 : i1 to i32
      %cond3A_343 = arith.constant 0 : i32
      %cond3A_344 = arith.cmpi ne, %convert_element_type3A_342, %cond3A_343 : i32
      scf.if %cond3A_344 {
        %add3A_367 = arith.constant 2 : i32
        %add3A_368 = arith.addi %add3A_332, %add3A_367 : i32
        %dma_start3A_369 = arith.constant 0 : i32
        %dma_start3A_370 = tpu.memref_slice %arg5[%add3A_368, %dma_start3A_369] : memref<80x128xi32, #tpu.memory_space<vmem>> -> memref<1x128xi32, #tpu.memory_space<vmem>>
        %dma_start3A_371 = tpu.memref_squeeze %dma_start3A_370 : memref<1x128xi32, #tpu.memory_space<vmem>> -> memref<128xi32, #tpu.memory_space<vmem>>
        %dma_start3A_372 = arith.constant 0 : i32
        %dma_start3A_373 = arith.constant 0 : i32
        %dma_start3A_374 = tpu.memref_slice %arg3[%dma_start3A_372, %dma_start3A_373] : memref<10000x128xf32, #tpu.memory_space<hbm>> -> memref<10000x128xf32, #tpu.memory_space<hbm>>
        tpu.enqueue_indirect_dma source(%dma_start3A_374 : memref<10000x128xf32, #tpu.memory_space<hbm>>) target(%arg8 : memref<128x128xf32, #tpu.memory_space<vmem>>) offsets(%dma_start3A_371 : memref<128xi32, #tpu.memory_space<vmem>>) semaphore(%arg10 : memref<!tpu.dma_semaphore, #tpu.memory_space<semaphore_mem>>)
      } else {
      }
      %mul3A_345 = arith.constant 8 : i32
      %mul3A_346 = arith.muli %add3A_222, %mul3A_345 : i32
      %add3A_347 = arith.constant 7 : i32
      %add3A_348 = arith.addi %mul3A_346, %add3A_347 : i32
      %dma_wait3A_349 = arith.constant 0 : i32
      %dma_wait3A_350 = tpu.memref_slice %arg5[%add3A_348, %dma_wait3A_349] : memref<80x128xi32, #tpu.memory_space<vmem>> -> memref<1x128xi32, #tpu.memory_space<vmem>>
      %dma_wait3A_351 = tpu.memref_squeeze %dma_wait3A_350 : memref<1x128xi32, #tpu.memory_space<vmem>> -> memref<128xi32, #tpu.memory_space<vmem>>
      %dma_wait3A_352 = arith.constant 0 : i32
      %dma_wait3A_353 = arith.constant 0 : i32
      %dma_wait3A_354 = tpu.memref_slice %arg3[%dma_wait3A_352, %dma_wait3A_353] : memref<10000x128xf32, #tpu.memory_space<hbm>> -> memref<10000x128xf32, #tpu.memory_space<hbm>>
      tpu.wait_indirect_dma semaphore(%arg11 : memref<!tpu.dma_semaphore, #tpu.memory_space<semaphore_mem>>) src(%dma_wait3A_354 : memref<10000x128xf32, #tpu.memory_space<hbm>>) dst(%arg9 : memref<128x128xf32, #tpu.memory_space<vmem>>)
      %run_scoped3A_355 = arith.constant 7 : i32
      "tpu.region"() ({
        %run_scoped3A_367 = tpu.sem_alloc : memref<!tpu.dma_semaphore, #tpu.memory_space<semaphore_mem>>
        %dma_start3A_368 = arith.constant 0 : i32
        %dma_start3A_369 = tpu.memref_slice %arg7[%run_scoped3A_355, %dma_start3A_368] : memref<8x128xi32, #tpu.memory_space<vmem>> -> memref<1x128xi32, #tpu.memory_space<vmem>>
        %dma_start3A_370 = tpu.memref_squeeze %dma_start3A_369 : memref<1x128xi32, #tpu.memory_space<vmem>> -> memref<128xi32, #tpu.memory_space<vmem>>
        %dma_start3A_371 = arith.constant 0 : i32
        %dma_start3A_372 = arith.constant 0 : i32
        %dma_start3A_373 = tpu.memref_slice %arg17[%dma_start3A_371, %dma_start3A_372] : memref<10080x128xf32, #tpu.memory_space<vmem_shared>> -> memref<10080x128xf32, #tpu.memory_space<vmem_shared>>
        tpu.enqueue_indirect_dma source(%arg9 : memref<128x128xf32, #tpu.memory_space<vmem>>) target(%dma_start3A_373 : memref<10080x128xf32, #tpu.memory_space<vmem_shared>>) offsets(%dma_start3A_370 : memref<128xi32, #tpu.memory_space<vmem>>) semaphore(%run_scoped3A_367 : memref<!tpu.dma_semaphore, #tpu.memory_space<semaphore_mem>>) {add = true}
        %dma_wait3A_374 = arith.constant 0 : i32
        %dma_wait3A_375 = tpu.memref_slice %arg7[%run_scoped3A_355, %dma_wait3A_374] : memref<8x128xi32, #tpu.memory_space<vmem>> -> memref<1x128xi32, #tpu.memory_space<vmem>>
        %dma_wait3A_376 = tpu.memref_squeeze %dma_wait3A_375 : memref<1x128xi32, #tpu.memory_space<vmem>> -> memref<128xi32, #tpu.memory_space<vmem>>
        %dma_wait3A_377 = arith.constant 0 : i32
        %dma_wait3A_378 = arith.constant 0 : i32
        %dma_wait3A_379 = tpu.memref_slice %arg17[%dma_wait3A_377, %dma_wait3A_378] : memref<10080x128xf32, #tpu.memory_space<vmem_shared>> -> memref<10080x128xf32, #tpu.memory_space<vmem_shared>>
        tpu.wait_indirect_dma semaphore(%run_scoped3A_367 : memref<!tpu.dma_semaphore, #tpu.memory_space<semaphore_mem>>) src(%arg9 : memref<128x128xf32, #tpu.memory_space<vmem>>) dst(%dma_wait3A_379 : memref<10080x128xf32, #tpu.memory_space<vmem_shared>>)
        tpu.yield
      }) : () -> ()
      %lt3A_356 = arith.constant 78 : i32
      %lt3A_357 = arith.cmpi slt, %add3A_348, %lt3A_356 : i32
      %convert_element_type3A_358 = arith.extui %lt3A_357 : i1 to i32
      %cond3A_359 = arith.constant 0 : i32
      %cond3A_360 = arith.cmpi ne, %convert_element_type3A_358, %cond3A_359 : i32
      scf.if %cond3A_360 {
        %add3A_367 = arith.constant 2 : i32
        %add3A_368 = arith.addi %add3A_348, %add3A_367 : i32
        %dma_start3A_369 = arith.constant 0 : i32
        %dma_start3A_370 = tpu.memref_slice %arg5[%add3A_368, %dma_start3A_369] : memref<80x128xi32, #tpu.memory_space<vmem>> -> memref<1x128xi32, #tpu.memory_space<vmem>>
        %dma_start3A_371 = tpu.memref_squeeze %dma_start3A_370 : memref<1x128xi32, #tpu.memory_space<vmem>> -> memref<128xi32, #tpu.memory_space<vmem>>
        %dma_start3A_372 = arith.constant 0 : i32
        %dma_start3A_373 = arith.constant 0 : i32
        %dma_start3A_374 = tpu.memref_slice %arg3[%dma_start3A_372, %dma_start3A_373] : memref<10000x128xf32, #tpu.memory_space<hbm>> -> memref<10000x128xf32, #tpu.memory_space<hbm>>
        tpu.enqueue_indirect_dma source(%dma_start3A_374 : memref<10000x128xf32, #tpu.memory_space<hbm>>) target(%arg9 : memref<128x128xf32, #tpu.memory_space<vmem>>) offsets(%dma_start3A_371 : memref<128xi32, #tpu.memory_space<vmem>>) semaphore(%arg11 : memref<!tpu.dma_semaphore, #tpu.memory_space<semaphore_mem>>)
      } else {
      }
      %lt3A_361 = arith.constant 8 : i32
      %lt3A_362 = arith.cmpi slt, %add3A_222, %lt3A_361 : i32
      %convert_element_type3A_363 = arith.extui %lt3A_362 : i1 to i32
      %cond3A_364 = arith.constant 0 : i32
      %cond3A_365 = arith.cmpi ne, %convert_element_type3A_363, %cond3A_364 : i32
      scf.if %cond3A_365 {
        %add3A_367 = arith.constant 2 : i32
        %add3A_368 = arith.addi %add3A_222, %add3A_367 : i32
        %mul3A_369 = arith.constant 8 : i32
        %mul3A_370 = arith.muli %add3A_368, %mul3A_369 : i32
        %multiple_of3A_371 = tpu.assume_multiple %mul3A_370, 8 : i32
        %dma_start3A_372 = arith.constant 0 : i32
        %dma_start3A_373 = arith.constant 0 : i32
        %dma_start3A_374 = tpu.memref_slice %arg2[%dma_start3A_372, %add3A, %multiple_of3A_371, %dma_start3A_373] : memref<2x32x80x128xi32, #tpu.memory_space<hbm>> -> memref<1x1x8x128xi32, #tpu.memory_space<hbm>>
        %dma_start3A_375 = tpu.memref_squeeze %dma_start3A_374 : memref<1x1x8x128xi32, #tpu.memory_space<hbm>> -> memref<8x128xi32, #tpu.memory_space<hbm>>
        %dma_start3A_376 = arith.constant 0 : i32
        %dma_start3A_377 = tpu.memref_slice %arg2[%dma_start3A_372, %add3A, %multiple_of3A_371, %dma_start3A_376] : memref<2x32x80x128xi32, #tpu.memory_space<hbm>> -> memref<1x1x8x128xi32, #tpu.memory_space<hbm>>
        %dma_start3A_378 = tpu.memref_squeeze %dma_start3A_377 : memref<1x1x8x128xi32, #tpu.memory_space<hbm>> -> memref<8x128xi32, #tpu.memory_space<hbm>>
        tpu.enqueue_dma source(%dma_start3A_378 : memref<8x128xi32, #tpu.memory_space<hbm>>) target(%arg7 : memref<8x128xi32, #tpu.memory_space<vmem>>) target_semaphore(%arg15 : memref<!tpu.dma_semaphore, #tpu.memory_space<semaphore_mem>>)
      } else {
      }
      %scan3A_366 = arith.constant 0 : i32
      scf.yield %scan3A_366 : i32
    }
    %scan3A_62 = arith.constant 5 : i32
    %barrier3A_63 = arith.constant 0 : index
    tpu.barrier barrier_id(%barrier3A_63)
    %lt3A = arith.constant 15 : i32
    %lt3A_64 = arith.cmpi slt, %arg1, %lt3A : i32
    %convert_element_type3A_65 = arith.extui %lt3A_64 : i1 to i32
    %cond3A_66 = arith.constant 0 : i32
    %cond3A_67 = arith.cmpi ne, %convert_element_type3A_65, %cond3A_66 : i32
    scf.if %cond3A_67 {
      %mul3A_73 = arith.constant 624 : i32
      %mul3A_74 = arith.muli %arg1, %mul3A_73 : i32
      "tpu.region"() ({
        %run_scoped3A = tpu.sem_alloc : memref<!tpu.dma_semaphore, #tpu.memory_space<semaphore_mem>>
        %dma_start3A_75 = arith.constant 0 : i32
        %dma_start3A_76 = tpu.memref_slice %arg4[%arg0, %mul3A_74, %dma_start3A_75] : memref<2x10000x128xf32, #tpu.memory_space<hbm>> -> memref<1x624x128xf32, #tpu.memory_space<hbm>>
        %dma_start3A_77 = tpu.memref_squeeze %dma_start3A_76 : memref<1x624x128xf32, #tpu.memory_space<hbm>> -> memref<624x128xf32, #tpu.memory_space<hbm>>
        %dma_start3A_78 = arith.constant 0 : i32
        %dma_start3A_79 = tpu.memref_slice %arg17[%mul3A_74, %dma_start3A_78] : memref<10080x128xf32, #tpu.memory_space<vmem_shared>> -> memref<624x128xf32, #tpu.memory_space<vmem_shared>>
        tpu.enqueue_dma source(%dma_start3A_79 : memref<624x128xf32, #tpu.memory_space<vmem_shared>>) target(%dma_start3A_77 : memref<624x128xf32, #tpu.memory_space<hbm>>) target_semaphore(%run_scoped3A : memref<!tpu.dma_semaphore, #tpu.memory_space<semaphore_mem>>)
        %dma_wait3A_80 = arith.constant 0 : i32
        %dma_wait3A_81 = tpu.memref_slice %arg4[%arg0, %mul3A_74, %dma_wait3A_80] : memref<2x10000x128xf32, #tpu.memory_space<hbm>> -> memref<1x624x128xf32, #tpu.memory_space<hbm>>
        %dma_wait3A_82 = tpu.memref_squeeze %dma_wait3A_81 : memref<1x624x128xf32, #tpu.memory_space<hbm>> -> memref<624x128xf32, #tpu.memory_space<hbm>>
        %dma_wait3A_83 = arith.constant 0 : i32
        %dma_wait3A_84 = tpu.memref_slice %arg17[%mul3A_74, %dma_wait3A_83] : memref<10080x128xf32, #tpu.memory_space<vmem_shared>> -> memref<624x128xf32, #tpu.memory_space<vmem_shared>>
        tpu.wait_dma2 semaphore(%run_scoped3A : memref<!tpu.dma_semaphore, #tpu.memory_space<semaphore_mem>>) src(%dma_wait3A_84 : memref<624x128xf32, #tpu.memory_space<vmem_shared>>) dst(%dma_wait3A_82 : memref<624x128xf32, #tpu.memory_space<hbm>>)
        tpu.yield
      }) : () -> ()
    } else {
    }
    %eq3A_68 = arith.constant 15 : i32
    %eq3A_69 = arith.cmpi eq, %arg1, %eq3A_68 : i32
    %convert_element_type3A_70 = arith.extui %eq3A_69 : i1 to i32
    %cond3A_71 = arith.constant 0 : i32
    %cond3A_72 = arith.cmpi ne, %convert_element_type3A_70, %cond3A_71 : i32
    scf.if %cond3A_72 {
      "tpu.region"() ({
        %run_scoped3A = tpu.sem_alloc : memref<!tpu.dma_semaphore, #tpu.memory_space<semaphore_mem>>
        %dma_start3A_73 = arith.constant 9360 : i32
        %dma_start3A_74 = arith.constant 0 : i32
        %dma_start3A_75 = tpu.memref_slice %arg4[%arg0, %dma_start3A_73, %dma_start3A_74] : memref<2x10000x128xf32, #tpu.memory_space<hbm>> -> memref<1x640x128xf32, #tpu.memory_space<hbm>>
        %dma_start3A_76 = tpu.memref_squeeze %dma_start3A_75 : memref<1x640x128xf32, #tpu.memory_space<hbm>> -> memref<640x128xf32, #tpu.memory_space<hbm>>
        %dma_start3A_77 = arith.constant 9360 : i32
        %dma_start3A_78 = arith.constant 0 : i32
        %dma_start3A_79 = tpu.memref_slice %arg17[%dma_start3A_77, %dma_start3A_78] : memref<10080x128xf32, #tpu.memory_space<vmem_shared>> -> memref<640x128xf32, #tpu.memory_space<vmem_shared>>
        tpu.enqueue_dma source(%dma_start3A_79 : memref<640x128xf32, #tpu.memory_space<vmem_shared>>) target(%dma_start3A_76 : memref<640x128xf32, #tpu.memory_space<hbm>>) target_semaphore(%run_scoped3A : memref<!tpu.dma_semaphore, #tpu.memory_space<semaphore_mem>>)
        %dma_wait3A_80 = arith.constant 9360 : i32
        %dma_wait3A_81 = arith.constant 0 : i32
        %dma_wait3A_82 = tpu.memref_slice %arg4[%arg0, %dma_wait3A_80, %dma_wait3A_81] : memref<2x10000x128xf32, #tpu.memory_space<hbm>> -> memref<1x640x128xf32, #tpu.memory_space<hbm>>
        %dma_wait3A_83 = tpu.memref_squeeze %dma_wait3A_82 : memref<1x640x128xf32, #tpu.memory_space<hbm>> -> memref<640x128xf32, #tpu.memory_space<hbm>>
        %dma_wait3A_84 = arith.constant 9360 : i32
        %dma_wait3A_85 = arith.constant 0 : i32
        %dma_wait3A_86 = tpu.memref_slice %arg17[%dma_wait3A_84, %dma_wait3A_85] : memref<10080x128xf32, #tpu.memory_space<vmem_shared>> -> memref<640x128xf32, #tpu.memory_space<vmem_shared>>
        tpu.wait_dma2 semaphore(%run_scoped3A : memref<!tpu.dma_semaphore, #tpu.memory_space<semaphore_mem>>) src(%dma_wait3A_86 : memref<640x128xf32, #tpu.memory_space<vmem_shared>>) dst(%dma_wait3A_83 : memref<640x128xf32, #tpu.memory_space<hbm>>)
        tpu.yield
      }) : () -> ()
    } else {
    }
    return
  }
}

module attributes {stable_mosaic.version = 14 : i64} {
  func.func @_linear_body(%arg0: i32, %arg1: memref<2000x128xf32, #tpu.memory_space<vmem>>, %arg2: memref<128x128xf32, #tpu.memory_space<vmem>>, %arg3: memref<1x128xf32, #tpu.memory_space<vmem>>, %arg4: memref<2000x2xf32, #tpu.memory_space<vmem>>, %arg5: memref<2000x128xf32, #tpu.memory_space<vmem>>) attributes {dimension_semantics = [#tpu.dimension_semantics<arbitrary>], iteration_bounds = array<i64: 5>, scalar_prefetch = 0 : i64, scratch_operands = 0 : i64, tpu.core_type = #tpu.core_type<tc>, window_params = [{transform_indices = @transform_0, window_bounds = array<i64: 2000, 128>}, {pipeline_mode = #tpu.pipeline_mode<synchronous>, transform_indices = @transform_1, window_bounds = array<i64: 128, 128>}, {pipeline_mode = #tpu.pipeline_mode<synchronous>, transform_indices = @transform_2, window_bounds = array<i64: 1, 128>}, {transform_indices = @transform_3, window_bounds = array<i64: 2000, 2>}, {transform_indices = @transform_4, window_bounds = array<i64: 2000, 128>}]} {
    %get3A = arith.constant 0 : index
    %get3A_0 = arith.constant 0 : index
    %get3A_1 = vector.load %arg1[%get3A, %get3A_0] : memref<2000x128xf32, #tpu.memory_space<vmem>>, vector<2000x128xf32>
    %get3A_2 = arith.constant 0 : index
    %get3A_3 = arith.constant 0 : index
    %get3A_4 = vector.load %arg2[%get3A_2, %get3A_3] : memref<128x128xf32, #tpu.memory_space<vmem>>, vector<128x128xf32>
    %dot_general3A = arith.constant dense<0.000000e+00> : vector<2000x128xf32>
    %dot_general3A_5 = tpu.matmul %get3A_1, %get3A_4, %dot_general3A {dimension_numbers = #tpu.dot_dimension_numbers<[1], [0], [0], [1], [0, 0, 1, 1], [], []>, transpose_lhs_hint = false} : vector<2000x128xf32>, vector<128x128xf32>, vector<2000x128xf32> -> vector<2000x128xf32>
    %get3A_6 = arith.constant 0 : index
    %get3A_7 = arith.constant 0 : index
    %get3A_8 = vector.load %arg3[%get3A_6, %get3A_7] : memref<1x128xf32, #tpu.memory_space<vmem>>, vector<1x128xf32>
    %add3A = vector.broadcast %get3A_8 : vector<1x128xf32> to vector<2000x128xf32>
    %add3A_9 = arith.addf %dot_general3A_5, %add3A : vector<2000x128xf32>
    %get3A_10 = arith.constant 0 : index
    %get3A_11 = arith.constant 0 : index
    %get3A_12 = vector.load %arg4[%get3A_10, %get3A_11] : memref<2000x2xf32, #tpu.memory_space<vmem>>, vector<2000x2xf32>
    %reduce_sum3A = arith.constant dense<0.000000e+00> : vector<2000xf32>
    %reduce_sum3A_13 = vector.multi_reduction <add>, %get3A_12, %reduce_sum3A [1] : vector<2000x2xf32> to vector<2000xf32>
    %broadcast_in_dim3A = vector.shape_cast %reduce_sum3A_13 : vector<2000xf32> to vector<2000x1xf32>
    %add3A_14 = arith.constant 1.000000e+00 : f32
    %add3A_15 = vector.broadcast %add3A_14 : f32 to vector<2000x1xf32>
    %add3A_16 = arith.addf %broadcast_in_dim3A, %add3A_15 : vector<2000x1xf32>
    %rsqrt3A = math.rsqrt %add3A_16 : vector<2000x1xf32>
    %mul3A = vector.broadcast %rsqrt3A : vector<2000x1xf32> to vector<2000x128xf32>
    %mul3A_17 = arith.mulf %add3A_9, %mul3A : vector<2000x128xf32>
    %swap3A = arith.constant 0 : index
    %swap3A_18 = arith.constant 0 : index
    %swap3A_19 = vector.load %arg5[%swap3A, %swap3A_18] : memref<2000x128xf32, #tpu.memory_space<vmem>>, vector<2000x128xf32>
    tpu.vector_store %arg5[%swap3A, %swap3A_18], %mul3A_17 {strides = array<i32>} : memref<2000x128xf32, #tpu.memory_space<vmem>>, vector<2000x128xf32>,
    return
  }
  func.func @transform_0(%arg0: i32) -> (i32, i32) {
    %c0_i32 = arith.constant 0 : i32
    %c0_i32_0 = arith.constant 0 : i32
    return %arg0, %c0_i32 : i32, i32
  }
  func.func @transform_1(%arg0: i32) -> (i32, i32) {
    %c0_i32 = arith.constant 0 : i32
    %c0_i32_0 = arith.constant 0 : i32
    %c0_i32_1 = arith.constant 0 : i32
    return %c0_i32, %c0_i32_0 : i32, i32
  }
  func.func @transform_2(%arg0: i32) -> (i32, i32) {
    %c0_i32 = arith.constant 0 : i32
    %c0_i32_0 = arith.constant 0 : i32
    %c0_i32_1 = arith.constant 0 : i32
    return %c0_i32, %c0_i32_0 : i32, i32
  }
  func.func @transform_3(%arg0: i32) -> (i32, i32) {
    %c0_i32 = arith.constant 0 : i32
    %c0_i32_0 = arith.constant 0 : i32
    return %arg0, %c0_i32 : i32, i32
  }
  func.func @transform_4(%arg0: i32) -> (i32, i32) {
    %c0_i32 = arith.constant 0 : i32
    %c0_i32_0 = arith.constant 0 : i32
    return %arg0, %c0_i32 : i32, i32
  }
}

module attributes {stable_mosaic.version = 14 : i64} {
  func.func @_combine_body(%arg0: i32, %arg1: memref<2x2000x128xf32, #tpu.memory_space<vmem>>, %arg2: memref<2000x2xf32, #tpu.memory_space<vmem>>, %arg3: memref<2000x128xf32, #tpu.memory_space<vmem>>) attributes {dimension_semantics = [#tpu.dimension_semantics<arbitrary>], iteration_bounds = array<i64: 5>, scalar_prefetch = 0 : i64, scratch_operands = 0 : i64, tpu.core_type = #tpu.core_type<tc>, window_params = [{transform_indices = @transform_0, window_bounds = array<i64: 2, 2000, 128>}, {transform_indices = @transform_1, window_bounds = array<i64: 2000, 2>}, {transform_indices = @transform_2, window_bounds = array<i64: 2000, 128>}]} {
    %get3A = arith.constant 0 : index
    %get3A_0 = arith.constant 0 : index
    %get3A_1 = vector.load %arg2[%get3A, %get3A_0] : memref<2000x2xf32, #tpu.memory_space<vmem>>, vector<2000x2xf32>
    %reduce_sum3A = arith.constant dense<0.000000e+00> : vector<2000xf32>
    %reduce_sum3A_2 = vector.multi_reduction <add>, %get3A_1, %reduce_sum3A [1] : vector<2000x2xf32> to vector<2000xf32>
    %broadcast_in_dim3A = vector.shape_cast %reduce_sum3A_2 : vector<2000xf32> to vector<2000x1xf32>
    %add3A = arith.constant 1.000000e+00 : f32
    %add3A_3 = vector.broadcast %add3A : f32 to vector<2000x1xf32>
    %add3A_4 = arith.addf %broadcast_in_dim3A, %add3A_3 : vector<2000x1xf32>
    %get3A_5 = arith.constant 0 : index
    %get3A_6 = arith.constant 0 : index
    %get3A_7 = arith.constant 0 : index
    %get3A_8 = vector.load %arg1[%get3A_5, %get3A_6, %get3A_7] : memref<2x2000x128xf32, #tpu.memory_space<vmem>>, vector<1x2000x128xf32>
    %get3A_9 = vector.shape_cast %get3A_8 : vector<1x2000x128xf32> to vector<2000x128xf32>
    %get3A_10 = arith.constant 1 : index
    %get3A_11 = arith.constant 0 : index
    %get3A_12 = arith.constant 0 : index
    %get3A_13 = vector.load %arg1[%get3A_10, %get3A_11, %get3A_12] : memref<2x2000x128xf32, #tpu.memory_space<vmem>>, vector<1x2000x128xf32>
    %get3A_14 = vector.shape_cast %get3A_13 : vector<1x2000x128xf32> to vector<2000x128xf32>
    %add3A_15 = arith.addf %get3A_9, %get3A_14 : vector<2000x128xf32>
    %rsqrt3A = math.rsqrt %add3A_4 : vector<2000x1xf32>
    %mul3A = vector.broadcast %rsqrt3A : vector<2000x1xf32> to vector<2000x128xf32>
    %mul3A_16 = arith.mulf %add3A_15, %mul3A : vector<2000x128xf32>
    %swap3A = arith.constant 0 : index
    %swap3A_17 = arith.constant 0 : index
    %swap3A_18 = vector.load %arg3[%swap3A, %swap3A_17] : memref<2000x128xf32, #tpu.memory_space<vmem>>, vector<2000x128xf32>
    tpu.vector_store %arg3[%swap3A, %swap3A_17], %mul3A_16 {strides = array<i32>} : memref<2000x128xf32, #tpu.memory_space<vmem>>, vector<2000x128xf32>,
    return
  }
  func.func @transform_0(%arg0: i32) -> (i32, i32, i32) {
    %c0_i32 = arith.constant 0 : i32
    %c0_i32_0 = arith.constant 0 : i32
    %c0_i32_1 = arith.constant 0 : i32
    return %c0_i32, %arg0, %c0_i32_0 : i32, i32, i32
  }
  func.func @transform_1(%arg0: i32) -> (i32, i32) {
    %c0_i32 = arith.constant 0 : i32
    %c0_i32_0 = arith.constant 0 : i32
    return %arg0, %c0_i32 : i32, i32
  }
  func.func @transform_2(%arg0: i32) -> (i32, i32) {
    %c0_i32 = arith.constant 0 : i32
    %c0_i32_0 = arith.constant 0 : i32
    return %arg0, %c0_i32 : i32, i32
  }
}

</mosaic_0001>

<sc_bundles>
// kernel: kernel.6.cloned.1.call-start
scs
__scs_entry_jumppad:
0x0: {  	(pc) =	sbr.rel $0x88, $3  }
0x1: {  	(tag) =	ssettag $0x0;
	lr =	simm.s32 $0x1  }
0x2: {  	[smem:$0x3F9D] =	sst lr;
	_ =	strace $0xD0000000  }
0x3: {  	_ = 	snop  }
0x4: {  	_ = 	snop  }
0x5: {  	_ = 	snop  }
0x6: {  	_ = 	snop  }
0x7: {  	_ = 	snop  }
__scs_overlays_trampoline_lowered:
0x8: {  	[smem:$0x3FAC] =	sst s0  }
0x9: {  	[smem:$0x3FAD] =	sst s1  }
0xa: {  	[smem:$0x3FAE] =	sst s2  }
0xb: {  	[smem:$0x3FAF] =	sst s3  }
0xc: {  	[smem:$0x3FB0] =	sst s4  }
0xd: {  	[smem:$0x3FB1] =	sst s5  }
0xe: {  	[smem:$0x3FB2] =	sst s6  }
0xf: {  	[smem:$0x3FB3] =	sst s7  }
0x10: {  	[smem:$0x3FB4] =	sst s8  }
0x11: {  	[smem:$0x3FB5] =	sst s9;
	s0 =	simm.s32 @!p0 $0x0  }
0x12: {  	s1 =	sld [smem:$0x3F9B];
	s0 =	simm.s32 @p0 $0x1  }
0x13: {  	[smem:$0x3FB6] =	sst s0;
	s0 =	simm.s32 @!p1 $0x0  }
0x14: {  	s2 =	sld [smem:$0x3F9A];
	s0 =	simm.s32 @p1 $0x1  }
0x15: {  	[smem:$0x3FB7] =	sst s0;
	s0 =	simm.s32 @!p2 $0x0  }
0x16: {  	s3 =	sld [smem:$0x3FDB];
	s0 =	simm.s32 @p2 $0x1  }
0x17: {  	s4 =	simm.s32 $0x1BF5;
	[smem:$0x3FB9] =	sst s0  }
0x18: {  	s0 =	sld [smem:$0x3F9C];
	_ =	swait.ge [sflag:s4], $0x0  }
0x19: {  	s7 =	sld [smem:$0x3F9D]  }
0x1a: {  	s8 =	sadd.s32 $0xFFFFE003, lr  }
0x1b: {  	s9 =	sadd.s32 $0xFFFFFEF7, lr;
	s5 =	simm.s32 $0xFFFFFFFF;
	p2 =	slt.u32 s8, $0xFFFFF086  }
0x1c: {  	p1 =	slt.u32 s9, $0xF7A;
	s5 =	simm.s32 @!p2 $0x0  }
0x1d: {  	s5 =	simm.s32 @p1 $0x1;
	p0 =	seq.s32 s7, s2  }
0x1e: {  	s7 =	smul.u32 @!p0 $0xF7A, s2;
	p2 =	seq.s32 @!p0 s5, $0x0  }
0x1f: {  	s9 =	smul.u32 $0xF7A, s1;
	s8 =	simm.s32 @!p0 $0x1BF5;
	p2 =	por !p2, p0  }
0x20: {  	[sflag:s8] =	ssyncset.s32 @!p0 $0xFFFFF086;
	s6 =	sadd.s32 @!p0 s3, s7;
	s7 =	simm.s32 @!p0 $0x108  }
0x21: {  	s3 =	sadd.s32 s3, s9;
	s6 =	sadd.s32 @!p0 $0x88, s6;
	s7 =	simm.s32 @p2 $0x1082  }
0x22: {  	[simem:s7], [sflag:s8] =	dma.local @!p0 [hbm:s6], $0xF7A  }
0x23: {  	s9 =	sor.u32 $0xD0000000, s2;
	s6 =	simm.s32 $0x108;
	_ =	swait.ge @!p0 [sflag:s8], $0x0  }
0x24: {  	s3 =	sadd.s32 $0x88, s3;
	s6 =	simm.s32 @!p1 $0x1082;
	[sflag:s4] =	ssyncset.s32 $0xFFFFF086  }
0x25: {  	[simem:s6], [sflag:s4] =	dma.local [hbm:s3], $0xF7A  }
0x26: {  	[smem:$0x3F9D] =	sst s1;
	(tag) =	ssettag s2;
	_ =	strace s9  }
0x27: {  	s1 =	sld [smem:$0x3FAD]  }
0x28: {  	s2 =	sld [smem:$0x3FAE]  }
0x29: {  	s4 =	sld [smem:$0x3FB0]  }
0x2a: {  	p0 =	seq.s32 s5, $0x0;
	s5 =	sld [smem:$0x3FB1]  }
0x2b: {  	s6 =	sld [smem:$0x3FB2]  }
0x2c: {  	s7 =	sld [smem:$0x3FB3]  }
0x2d: {  	s3 =	simm.s32 $0x108;
	s8 =	sld [smem:$0x3FB4]  }
0x2e: {  	s3 =	simm.s32 @!p0 $0x1082;
	s9 =	sld [smem:$0x3FB5]  }
0x2f: {  	lr =	sadd.s32 s0, s3;
	s0 =	sld [smem:$0x3FAC]  }
0x30: {  	s3 =	sld [smem:$0x3FAF]  }
0x31: {  	[smem:$0x3FB8] =	sst s10  }
0x32: {  	s10 =	sld [smem:$0x3FB6];
	_ =	sdelay $0x3  }
0x33: {  	p0 =	seq.s32 s10, $0x1;
	s10 =	sld [smem:$0x3FB8];
	_ =	sdelay $0x3  }
0x34: {  	[smem:$0x3FB8] =	sst s10  }
0x35: {  	s10 =	sld [smem:$0x3FB7];
	_ =	sdelay $0x3  }
0x36: {  	p1 =	seq.s32 s10, $0x1;
	s10 =	sld [smem:$0x3FB8];
	_ =	sdelay $0x3  }
0x37: {  	[smem:$0x3FB8] =	sst s10  }
0x38: {  	s10 =	sld [smem:$0x3FB9]  }
0x39: {  	_ = 	snop;
	(pc) =	sbr.ind lr, $3  }
0x3a: {  	_ = 	snop  }
0x3b: {  	_ = 	snop  }
0x3c: {  	p2 =	seq.s32 s10, $0x1;
	s10 =	sld [smem:$0x3FB8]  }
0x3d: {  	_ =	shalt  }
0x3e: {  	_ =	shalt  }
0x3f: {  	_ =	shalt  }
0x40: {  	_ =	shalt  }
0x41: {  	_ =	shalt  }
0x42: {  	_ =	shalt  }
0x43: {  	_ =	shalt  }
0x44: {  	_ =	shalt  }
0x45: {  	_ =	shalt  }
0x46: {  	_ =	shalt  }
0x47: {  	_ =	shalt  }
0x48: {  	_ =	shalt  }
0x49: {  	_ =	shalt  }
0x4a: {  	_ =	shalt  }
0x4b: {  	_ =	shalt  }
0x4c: {  	_ =	shalt  }
0x4d: {  	_ =	shalt  }
0x4e: {  	_ =	shalt  }
0x4f: {  	_ =	shalt  }
0x50: {  	_ =	shalt  }
0x51: {  	_ =	shalt  }
0x52: {  	_ =	shalt  }
0x53: {  	_ =	shalt  }
0x54: {  	_ =	shalt  }
0x55: {  	_ =	shalt  }
0x56: {  	_ =	shalt  }
0x57: {  	_ =	shalt  }
0x58: {  	_ =	shalt  }
0x59: {  	_ =	shalt  }
0x5a: {  	_ =	shalt  }
0x5b: {  	_ =	shalt  }
0x5c: {  	_ =	shalt  }
0x5d: {  	_ =	shalt  }
0x5e: {  	_ =	shalt  }
0x5f: {  	_ =	shalt  }
0x60: {  	_ =	shalt  }
0x61: {  	_ =	shalt  }
0x62: {  	_ =	shalt  }
0x63: {  	_ =	shalt  }
0x64: {  	_ =	shalt  }
0x65: {  	_ =	shalt  }
0x66: {  	_ =	shalt  }
0x67: {  	_ =	shalt  }
0x68: {  	_ =	shalt  }
0x69: {  	_ =	shalt  }
0x6a: {  	_ =	shalt  }
0x6b: {  	_ =	shalt  }
0x6c: {  	_ =	shalt  }
0x6d: {  	_ =	shalt  }
0x6e: {  	_ =	shalt  }
0x6f: {  	_ =	shalt  }
0x70: {  	_ =	shalt  }
0x71: {  	_ =	shalt  }
0x72: {  	_ =	shalt  }
0x73: {  	_ =	shalt  }
0x74: {  	_ =	shalt  }
0x75: {  	_ =	shalt  }
0x76: {  	_ =	shalt  }
0x77: {  	_ =	shalt  }
0x78: {  	_ =	shalt  }
0x79: {  	_ =	shalt  }
0x7a: {  	_ =	shalt  }
0x7b: {  	_ =	shalt  }
0x7c: {  	_ =	shalt  }
0x7d: {  	_ =	shalt  }
0x7e: {  	_ =	shalt  }
0x7f: {  	_ =	shalt  }
0x80: {  	_ =	shalt  }
0x81: {  	_ =	shalt  }
0x82: {  	_ =	shalt  }
0x83: {  	_ =	shalt  }
0x84: {  	_ =	shalt  }
0x85: {  	_ =	shalt  }
0x86: {  	_ =	shalt  }
0x87: {  	_ =	shalt  }
.Lfunc_end0:
.L_simem_size_0:
called_computation_lowered:
.L_overlay_start_0:
0x88: {  	s2 =	sld [smem:$0x3FD9]  }
0x89: {  	s3 =	sld [smem:$0x3FFE];
	_ =	sdelay $0x1  }
0x8a: {  	s1 =	srdreg.scid  }
0x8b: {  	s0 =	sand.u32 $0x1, s1  }
0x8c: {  	s17 =	sshll.u32 s0, $0xA;
	s2 =	sadd.s32 s3, s2  }
0x8d: {  	s2 =	sadd.s32 s2, s17  }
0x8e: {  	[smem:$0x3FC4] =	sst s2  }
0x8f: {  	_ = 	snop  }
0x90: {  	s2 =	sld [smem:$0x3FD0];
	(tm) =	ssettm $0x1  }
0x91: {  	s18 =	sld [smem:$0x3FFB];
	_ =	sdelay $0x3  }
0x92: {  	_ =	strace s18  }
0x93: {  	s3 =	sld [smem:$0x3FFC];
	_ =	sdelay $0x3  }
0x94: {  	_ =	strace s3  }
0x95: {  	s3 =	sld [smem:$0x3FFD];
	_ =	sdelay $0x3  }
0x96: {  	_ =	strace s3  }
0x97: {  	_ =	strace $0x8FFFFFFF  }
0x98: {  	s19 =	sld [smem:$0x3FDB];
	_ =	sdelay $0x1  }
0x99: {  	s4 =	simm.s32 $_scs_section_size  }
0x9a: {  	s5 =	simm.s32 $_size__tile_overlayer_lowered;
	s6 =	simm.s32 $_tile_overlayer_lowered  }
0x9b: {  	s22 =	simm.s32 $0x1BFF;
	s21 =	sshll.u32 s6, $0x1;
	s3 =	sadd.s32 s4, s19  }
0x9c: {  	s7 =	simm.s32 $0x0;
	s20 =	sshll.u32 s5, $0x1;
	s5 =	sadd.s32 s21, s3  }
0x9d: {  	[timem:s7], [sflag:s22] =	dma.local [hbm:s5], s20  }
0x9e: {  	_ =	swait.ge [sflag:s22], s20  }
0x9f: {  	s4 =	ssub.s32 $0x0, s20;
	[sflag:s22] =	ssyncset.done $0x0  }
0xa0: {  	[sflag:s22] =	ssyncadd.s32 s4;
	_ =	sdelay $0x1  }
0xa1: {  	s23 =	simm.s32 $0x1B8B  }
0xa2: {  	_ =	swait.ge [sflag:s23], $0x1  }
0xa3: {  	[sflag:s23] =	ssyncset.done $0x0  }
0xa4: {  	s25 =	simm.s32 $0x1B8E;
	s24 =	sld [smem:$0x3FFE];
	[sflag:s23] =	ssyncadd.s32 $0xFFFFFFFF  }
0xa5: {  	s26 =	simm.s32 $execute0_lowered;
	[smem:$0x3FD2] =	sst s25  }
0xa6: {  	s5 =	sshll.u32 s26, $0x1;
	_ =	strace $0x80000046;
	[dreg:$0x1] =	wrdreg $0xFFFFFFFF  }
0xa7: {  	s28 =	simm.s32 $_size_execute0_lowered;
	s3 =	sadd.s32 s3, s5;
	[dreg:$0x0] =	wrdreg $0x0  }
0xa8: {  	s5 =	sshll.u32 s28, $0x1;
	[dreg:$0x2] =	wrdreg s3  }
0xa9: {  	[dreg:$0x3] =	wrdreg s5  }
0xaa: {  	[dreg:$0x4] =	wrdreg $0xC0  }
0xab: {  	_ =	task [dreg:s7], $0x5FFFF  }
0xac: {  	[dreg:$0x1] =	wrdreg $0xFFFFFFFF  }
0xad: {  	[dreg:$0x0] =	wrdreg $0x60  }
0xae: {  	[dreg:$0x2] =	wrdreg s24  }
0xaf: {  	[dreg:$0x3] =	wrdreg s2  }
0xb0: {  	[dreg:$0x4] =	wrdreg $0x2B000  }
0xb1: {  	[dreg:$0x5] =	wrdreg $0x9  }
0xb2: {  	_ =	task.clear_ibuf [dreg:s7], $0x6FFFF;
	_ =	strace $0x90000046  }
0xb3: {  	s29 =	simm.s32 $0x9;
	_ =	strace $0x80000048  }
0xb4: {  	_ =	swait.ge [sflag:s29], $0x1  }
0xb5: {  	[sflag:s29] =	ssyncadd.s32 $0xFFFFFFFF  }
0xb6: {  	_ =	strace $0x90000048  }
0xb7: {  	_ =	sfence  }
0xb8: {  	s30 =	sld [smem:$0x0];
	_ =	sdelay $0x2  }
0xb9: {  	s31 =	sshll.u32 s1, $0xD;
	s1 =	sshrl.u32 s1, $0x2  }
0xba: {  	s3 =	sand.u32 $0x4000, s31;
	s1 =	sadd.s32 s1, s30  }
0xbb: {  	s0 =	sor.u32 s3, s0;
	s1 =	sshll.u32 s1, $0x11  }
0xbc: {  	s0 =	sor.u32 s1, s0  }
0xbd: {  	s0 =	sadd.s32 $0x8F2B, s0  }
0xbe: {  	[sflag:s0] =	ssyncadd.remote.s32 $0x1  }
0xbf: {  	_ =	sfence.sel $0xFFFF  }
0xc0: {  	[dreg:$0x0] =	wrdreg $0xFFFFFFFF;
	(pc) =	sbr.abs _section_cstart, $3  }
0xc1: {  	[dreg:$0x1] =	wrdreg $0xFFFFFFFF  }
0xc2: {  	_ =	task.clear_ibuf [dreg:s7], $0x2FFFF;
	_ =	strace $0x9FFFFFFF  }
0xc3: {  	(tm) =	ssettm $0x7FFFFFFF  }
tec
execute0_lowered:
.L_overlay_start_1:
0x0: {  	(tag) =	ssettag $0x1  }
0x1: {  	s0 =	rddreg [dreg:$0x0];
	s1 =	srdreg.scid  }
0x2: {  	s7 =	stileid.u32;
	s5 =	rddreg [dreg:$0x1];
	s10 =	simm.s32 $0x2800  }
0x3: {  	s11 =	simm.s32 $0x100;
	s12 =	simm.s32 $0x180;
	s13 =	simm.s32 $0x200  }
0x4: {  	s14 =	simm.s32 $0x280;
	s15 =	simm.s32 $0x300;
	s16 =	simm.s32 $0x380  }
0x5: {  	s17 =	simm.s32 $0x400;
	s18 =	simm.s32 $0x480;
	s19 =	simm.s32 $0x500  }
0x6: {  	s20 =	simm.s32 $0x580;
	s21 =	simm.s32 $0x600;
	s22 =	simm.s32 $0x680  }
0x7: {  	s23 =	simm.s32 $0x700;
	s24 =	simm.s32 $0x780;
	s25 =	simm.s32 $0x1  }
0x8: {  	s28 =	simm.s32 $0x0;
	s6 =	sand.u32 $0x1, s1;
	s2 =	sshll.u32 s7, $0x1  }
0x9: {  	s1 =	rddreg [dreg:$0x2];
	s8 =	smul.u32 $0xA00, s7;
	p0 =	sne.s32 s7, $0x0  }
0xa: {  	s3 =	sor.u32 s6, s2;
	s2 =	simm.s32 $0x0;
	s4 =	ssub.s32 $0x2, s6  }
0xb: {  	s31 =	sshll.u32 s6, $0x4;
	s26 =	sshrl.u32 @!p0 s1, $0x3;
	s3 =	smul.u32 $0x500, s3  }
0xc: {  	[smem:$0x7FF] =	sst s2;
	s9 =	sshrl.u32 s4, $0x1;
	s30 =	sshrl.u32 s8, $0x2  }
0xd: {  	s5 =	sadd.s32 s5, s31;
	s8 =	simm.s32 $0x2;
	_ =	strace $0x80000047  }
0xe: {  	s9 =	ssub.s32 s4, s9;
	s0 =	sadd.s32 s3, s0;
	s3 =	sadd.s32 s30, s1  }
0xf: {  	v0 =	vimm.f32 $1.000000000e+00;
	v1 =	vimm.f32 $0.0e+00;
	s6 =	smax.u32 s9, $0x1;
	s9 =	simm.s32 $0x80;
	s4 =	sadd.s32 $0x1800, s0  }
.LBB2_1:
0x10: {  	[tilespmem:$0x2800] =	vst v0  }
0x11: {  	[tilespmem:$0x2810] =	vst v0  }
0x12: {  	[tilespmem:$0x2820] =	vst v0  }
0x13: {  	[tilespmem:$0x2830] =	vst v0  }
0x14: {  	[tilespmem:$0x2840] =	vst v0  }
0x15: {  	[tilespmem:$0x2850] =	vst v0  }
0x16: {  	[tilespmem:$0x2860] =	vst v0  }
0x17: {  	[tilespmem:$0x2870] =	vst v0  }
0x18: {  	[tilespmem:$0x2880] =	vst v1  }
0x19: {  	[tilespmem:$0x2890] =	vst v1  }
0x1a: {  	[tilespmem:$0x28A0] =	vst v1  }
0x1b: {  	[tilespmem:$0x28B0] =	vst v1  }
0x1c: {  	[tilespmem:$0x28C0] =	vst v1  }
0x1d: {  	[tilespmem:$0x28D0] =	vst v1  }
0x1e: {  	[tilespmem:$0x28E0] =	vst v1  }
0x1f: {  	[tilespmem:$0x28F0] =	vst v1  }
0x20: {  	[tilespmem:$0x2900] =	vst v1  }
0x21: {  	[tilespmem:$0x2910] =	vst v1  }
0x22: {  	[tilespmem:$0x2920] =	vst v1  }
0x23: {  	[tilespmem:$0x2930] =	vst v1  }
0x24: {  	[tilespmem:$0x2940] =	vst v1  }
0x25: {  	[tilespmem:$0x2950] =	vst v1  }
0x26: {  	[tilespmem:$0x2960] =	vst v1  }
0x27: {  	[tilespmem:$0x2970] =	vst v1  }
0x28: {  	[tilespmem:$0x2980] =	vst v1  }
0x29: {  	[tilespmem:$0x2990] =	vst v1  }
0x2a: {  	[tilespmem:$0x29A0] =	vst v1  }
0x2b: {  	[tilespmem:$0x29B0] =	vst v1  }
0x2c: {  	[tilespmem:$0x29C0] =	vst v1  }
0x2d: {  	[tilespmem:$0x29D0] =	vst v1  }
0x2e: {  	[tilespmem:$0x29E0] =	vst v1  }
0x2f: {  	[tilespmem:$0x29F0] =	vst v1  }
0x30: {  	[tilespmem:$0x2A00] =	vst v1  }
0x31: {  	[tilespmem:$0x2A10] =	vst v1  }
0x32: {  	[tilespmem:$0x2A20] =	vst v1  }
0x33: {  	[tilespmem:$0x2A30] =	vst v1  }
0x34: {  	[tilespmem:$0x2A40] =	vst v1  }
0x35: {  	[tilespmem:$0x2A50] =	vst v1  }
0x36: {  	[tilespmem:$0x2A60] =	vst v1  }
0x37: {  	[tilespmem:$0x2A70] =	vst v1  }
0x38: {  	[tilespmem:$0x2A80] =	vst v1  }
0x39: {  	[tilespmem:$0x2A90] =	vst v1  }
0x3a: {  	[tilespmem:$0x2AA0] =	vst v1  }
0x3b: {  	[tilespmem:$0x2AB0] =	vst v1  }
0x3c: {  	[tilespmem:$0x2AC0] =	vst v1  }
0x3d: {  	[tilespmem:$0x2AD0] =	vst v1  }
0x3e: {  	[tilespmem:$0x2AE0] =	vst v1  }
0x3f: {  	[tilespmem:$0x2AF0] =	vst v1;
	s0 =	simm.s32 $0x2880  }
0x40: {  	[spmem:s3] =	stream.linear.scatter [tilespmem:s0], [sflag:$0x2], $0x280, $0x38;
	[tilespmem:$0x2D80] =	vst v63  }
0x41: {  	_ =	swait.ge [sflag:s8], $0x280  }
0x42: {  	[sflag:s8] =	ssyncset.done $0x0  }
0x43: {  	[sflag:s8] =	ssyncadd.s32 $0xFFFFFD80  }
0x44: {  	[tilespmem:s2], [sflag:$0x2] =	stream.linear.gather [hbm4b:s4+s2], $0x2800, $0x38;
	[tilespmem:$0x2D80] =	vst v63  }
0x45: {  	_ =	swait.ge [sflag:s8], $0x2800  }
0x46: {  	[sflag:s8] =	ssyncset.done $0x0  }
0x47: {  	[sflag:s8] =	ssyncadd.s32 $0xFFFFD800  }
0x48: {  	[bflag:$0x0] =	sbarrier.arrive $0xFFFF  }
0x49: {  	[spmem:s1] =	stream.indirect.scatter.add.f32 [tilespmem:s10], [sflag:$0x1], $0x1, s2, s9, $0xb8;
	[tilespmem:$0x2D80] =	vst v63  }
0x4a: {  	_ = 	snop  }
0x4b: {  	[spmem:s1] =	stream.indirect.scatter.add.f32 [tilespmem:s10], [sflag:$0x1], $0x1, s9, s9, $0xb8;
	[tilespmem:$0x2D80] =	vst v63  }
0x4c: {  	_ = 	snop  }
0x4d: {  	[spmem:s1] =	stream.indirect.scatter.add.f32 [tilespmem:s10], [sflag:$0x1], $0x1, s11, s9, $0xb8;
	[tilespmem:$0x2D80] =	vst v63  }
0x4e: {  	_ = 	snop  }
0x4f: {  	[spmem:s1] =	stream.indirect.scatter.add.f32 [tilespmem:s10], [sflag:$0x1], $0x1, s12, s9, $0xb8;
	[tilespmem:$0x2D80] =	vst v63  }
0x50: {  	_ = 	snop  }
0x51: {  	[spmem:s1] =	stream.indirect.scatter.add.f32 [tilespmem:s10], [sflag:$0x1], $0x1, s13, s9, $0xb8;
	[tilespmem:$0x2D80] =	vst v63  }
0x52: {  	_ = 	snop  }
0x53: {  	[spmem:s1] =	stream.indirect.scatter.add.f32 [tilespmem:s10], [sflag:$0x1], $0x1, s14, s9, $0xb8;
	[tilespmem:$0x2D80] =	vst v63  }
0x54: {  	_ = 	snop  }
0x55: {  	[spmem:s1] =	stream.indirect.scatter.add.f32 [tilespmem:s10], [sflag:$0x1], $0x1, s15, s9, $0xb8;
	[tilespmem:$0x2D80] =	vst v63  }
0x56: {  	_ = 	snop  }
0x57: {  	[spmem:s1] =	stream.indirect.scatter.add.f32 [tilespmem:s10], [sflag:$0x1], $0x1, s16, s9, $0xb8;
	[tilespmem:$0x2D80] =	vst v63  }
0x58: {  	_ = 	snop  }
0x59: {  	[spmem:s1] =	stream.indirect.scatter.add.f32 [tilespmem:s10], [sflag:$0x1], $0x1, s17, s9, $0xb8;
	[tilespmem:$0x2D80] =	vst v63  }
0x5a: {  	_ = 	snop  }
0x5b: {  	[spmem:s1] =	stream.indirect.scatter.add.f32 [tilespmem:s10], [sflag:$0x1], $0x1, s18, s9, $0xb8;
	[tilespmem:$0x2D80] =	vst v63  }
0x5c: {  	_ = 	snop  }
0x5d: {  	[spmem:s1] =	stream.indirect.scatter.add.f32 [tilespmem:s10], [sflag:$0x1], $0x1, s19, s9, $0xb8;
	[tilespmem:$0x2D80] =	vst v63  }
0x5e: {  	_ = 	snop  }
0x5f: {  	[spmem:s1] =	stream.indirect.scatter.add.f32 [tilespmem:s10], [sflag:$0x1], $0x1, s20, s9, $0xb8;
	[tilespmem:$0x2D80] =	vst v63  }
0x60: {  	_ = 	snop  }
0x61: {  	[spmem:s1] =	stream.indirect.scatter.add.f32 [tilespmem:s10], [sflag:$0x1], $0x1, s21, s9, $0xb8;
	[tilespmem:$0x2D80] =	vst v63  }
0x62: {  	_ = 	snop  }
0x63: {  	[spmem:s1] =	stream.indirect.scatter.add.f32 [tilespmem:s10], [sflag:$0x1], $0x1, s22, s9, $0xb8;
	[tilespmem:$0x2D80] =	vst v63  }
0x64: {  	_ = 	snop  }
0x65: {  	[spmem:s1] =	stream.indirect.scatter.add.f32 [tilespmem:s10], [sflag:$0x1], $0x1, s23, s9, $0xb8;
	[tilespmem:$0x2D80] =	vst v63  }
0x66: {  	_ = 	snop  }
0x67: {  	[spmem:s1] =	stream.indirect.scatter.add.f32 [tilespmem:s10], [sflag:$0x1], $0x1, s24, s9, $0xb8;
	[tilespmem:$0x2D80] =	vst v63  }
0x68: {  	s30 =	simm.s32 $0x800;
	s29 =	simm.s32 $0x1;
	_ =	swait.ge [sflag:s25], $0x80  }
0x69: {  	p1 =	por $0x0, $0x0;
	s31 =	simm.s32 $0x880;
	[sflag:s25] =	ssyncset.done $0x0  }
0x6a: {  	s0 =	simm.s32 @!p1 $0x80;
	s7 =	simm.s32 @!p1 $0x2800;
	[sflag:s25] =	ssyncadd.s32 $0xFFFFFF80  }
.LBB2_2:
0x6b: {  	[spmem:s1] =	stream.indirect.scatter.add.f32 @!p1 [tilespmem:s7], [sflag:$0x1], $0x1, s30, s0, $0xb8;
	[tilespmem:$0x2D80] =	vst v63  }
0x6c: {  	s0 =	smov.u32 s29;
	s29 =	sadd.s32 $0x1, s29  }
0x6d: {  	p2 =	sne.s32 s29, $0x50  }
.Ltmp0:
0x6e: {  	(pc) =	sbr.rel @p2 .LBB2_2-.Ltmp0, $4  }
0x6f: {  	s30 =	smov.u32 s31  }
0x70: {  	_ =	swait.ge [sflag:s25], $0x80  }
0x71: {  	s31 =	sadd.s32 $0x80, s31;
	p1 =	sgt.u32 s0, $0x3F;
	[sflag:s25] =	ssyncset.done $0x0  }
0x72: {  	s0 =	simm.s32 @!p1 $0x80;
	s7 =	simm.s32 @!p1 $0x2800;
	[sflag:s25] =	ssyncadd.s32 $0xFFFFFF80  }
0x73: {  	[spmem:s1] =	stream.indirect.scatter.add.f32 @!p1 [tilespmem:s7], [sflag:$0x1], $0x1, s30, s0, $0xb8;
	[tilespmem:$0x2D80] =	vst v63  }
0x74: {  	s0 =	simm.s32 @!p0 $0x1  }
0x75: {  	s7 =	simm.s32 @!p0 $0x20;
	s29 =	simm.s32 @!p0 $0x10;
	s28 =	sadd.s32 $0x1, s28  }
0x76: {  	s30 =	simm.s32 @!p0 $0x1C02;
	[bflag:$0x0] =	sbarrier.arrive $0xFFFF;
	p1 =	sne.s32 s28, s6  }
0x77: {  	[hbm:s5@s7], [sflag:s30] =	dma.strided @!p0 [spmem:s26@s29], $0x500, s0, $0x10   }
.Ltmp1:
0x78: {  	_ = 	snop;
	(pc) =	sbr.rel @p1 .LBB2_1-.Ltmp1, $4  }
0x79: {  	s0 =	simm.s32 @!p0 $0x2  }
0x7a: {  	_ =	swait.ge @!p0 [sflag:s0], $0x500  }
0x7b: {  	[sflag:s0] =	ssyncset.done @!p0 $0x0  }
0x7c: {  	[sflag:s0] =	ssyncadd.s32 @!p0 $0xFFFFFB00  }
0x7d: {  	_ =	sfence.sel $0x180000  }
0x7e: {  	[bflag:$0x0] =	sbarrier.arrive $0xFFFF  }
0x7f: {  	_ =	strace $0x90000047  }
0x80: {  	[bflag:$0x2] =	sbarrier.arrive $0xFFFF  }
0x81: {  	s0 =	rddreg [dreg:$0x3]  }
0x82: {  	s0 =	sadd.s32 @!p0 $0x100000, s0  }
0x83: {  	[sflag:s0] =	ssyncadd.tile.s32 @!p0 $0x1;
	_ =	shalt  }
.Lfunc_end2:
_tile_overlayer_lowered:
.L_overlay_start_2:
0x84: {  	(tag) =	ssettag $0x2  }
0x85: {  	s0 =	rddreg [dreg:$0x0];
	s2 =	stileid.u32  }
0x86: {  	s1 =	rddreg [dreg:$0x1];
	p0 =	sne.s32 s2, $0x0  }
0x87: {  	s3 =	rddreg [dreg:$0x2];
	[bflag:$0x3] =	sbarrier.arrive $0xFFFF;
	s2 =	simm.s32 @!p0 $0x1C02  }
0x88: {  	[timem:s3], [sflag:s2] =	dma.local @!p0 [hbm:s0], s1  }
0x89: {  	s0 =	simm.s32 @!p0 $0x2  }
0x8a: {  	_ =	swait.ge @!p0 [sflag:s0], s1  }
0x8b: {  	s1 =	ssub.s32 @!p0 $0x0, s1;
	[sflag:s0] =	ssyncset.done @!p0 $0x0  }
0x8c: {  	[sflag:s0] =	ssyncadd.s32 @!p0 s1  }
0x8d: {  	[bflag:$0x3] =	sbarrier.arrive $0xFFFF  }
0x8e: {  	_ =	shalt  }

// kernel: kernel.9.cloned.1.call-start
scs
__scs_entry_jumppad:
0x0: {  	(pc) =	sbr.rel $0x88, $3  }
0x1: {  	(tag) =	ssettag $0x0;
	lr =	simm.s32 $0x1  }
0x2: {  	[smem:$0x3F9D] =	sst lr;
	_ =	strace $0xD0000000  }
0x3: {  	_ = 	snop  }
0x4: {  	_ = 	snop  }
0x5: {  	_ = 	snop  }
0x6: {  	_ = 	snop  }
0x7: {  	_ = 	snop  }
__scs_overlays_trampoline_lowered:
0x8: {  	[smem:$0x3FAC] =	sst s0  }
0x9: {  	[smem:$0x3FAD] =	sst s1  }
0xa: {  	[smem:$0x3FAE] =	sst s2  }
0xb: {  	[smem:$0x3FAF] =	sst s3  }
0xc: {  	[smem:$0x3FB0] =	sst s4  }
0xd: {  	[smem:$0x3FB1] =	sst s5  }
0xe: {  	[smem:$0x3FB2] =	sst s6  }
0xf: {  	[smem:$0x3FB3] =	sst s7  }
0x10: {  	[smem:$0x3FB4] =	sst s8  }
0x11: {  	[smem:$0x3FB5] =	sst s9;
	s0 =	simm.s32 @!p0 $0x0  }
0x12: {  	s1 =	sld [smem:$0x3F9B];
	s0 =	simm.s32 @p0 $0x1  }
0x13: {  	[smem:$0x3FB6] =	sst s0;
	s0 =	simm.s32 @!p1 $0x0  }
0x14: {  	s2 =	sld [smem:$0x3F9A];
	s0 =	simm.s32 @p1 $0x1  }
0x15: {  	[smem:$0x3FB7] =	sst s0;
	s0 =	simm.s32 @!p2 $0x0  }
0x16: {  	s3 =	sld [smem:$0x3FDB];
	s0 =	simm.s32 @p2 $0x1  }
0x17: {  	s4 =	simm.s32 $0x1BF5;
	[smem:$0x3FB9] =	sst s0  }
0x18: {  	s0 =	sld [smem:$0x3F9C];
	_ =	swait.ge [sflag:s4], $0x0  }
0x19: {  	s7 =	sld [smem:$0x3F9D]  }
0x1a: {  	s8 =	sadd.s32 $0xFFFFE003, lr  }
0x1b: {  	s9 =	sadd.s32 $0xFFFFFEF7, lr;
	s5 =	simm.s32 $0xFFFFFFFF;
	p2 =	slt.u32 s8, $0xFFFFF086  }
0x1c: {  	p1 =	slt.u32 s9, $0xF7A;
	s5 =	simm.s32 @!p2 $0x0  }
0x1d: {  	s5 =	simm.s32 @p1 $0x1;
	p0 =	seq.s32 s7, s2  }
0x1e: {  	s7 =	smul.u32 @!p0 $0xF7A, s2;
	p2 =	seq.s32 @!p0 s5, $0x0  }
0x1f: {  	s9 =	smul.u32 $0xF7A, s1;
	s8 =	simm.s32 @!p0 $0x1BF5;
	p2 =	por !p2, p0  }
0x20: {  	[sflag:s8] =	ssyncset.s32 @!p0 $0xFFFFF086;
	s6 =	sadd.s32 @!p0 s3, s7;
	s7 =	simm.s32 @!p0 $0x108  }
0x21: {  	s3 =	sadd.s32 s3, s9;
	s6 =	sadd.s32 @!p0 $0x88, s6;
	s7 =	simm.s32 @p2 $0x1082  }
0x22: {  	[simem:s7], [sflag:s8] =	dma.local @!p0 [hbm:s6], $0xF7A  }
0x23: {  	s9 =	sor.u32 $0xD0000000, s2;
	s6 =	simm.s32 $0x108;
	_ =	swait.ge @!p0 [sflag:s8], $0x0  }
0x24: {  	s3 =	sadd.s32 $0x88, s3;
	s6 =	simm.s32 @!p1 $0x1082;
	[sflag:s4] =	ssyncset.s32 $0xFFFFF086  }
0x25: {  	[simem:s6], [sflag:s4] =	dma.local [hbm:s3], $0xF7A  }
0x26: {  	[smem:$0x3F9D] =	sst s1;
	(tag) =	ssettag s2;
	_ =	strace s9  }
0x27: {  	s1 =	sld [smem:$0x3FAD]  }
0x28: {  	s2 =	sld [smem:$0x3FAE]  }
0x29: {  	s4 =	sld [smem:$0x3FB0]  }
0x2a: {  	p0 =	seq.s32 s5, $0x0;
	s5 =	sld [smem:$0x3FB1]  }
0x2b: {  	s6 =	sld [smem:$0x3FB2]  }
0x2c: {  	s7 =	sld [smem:$0x3FB3]  }
0x2d: {  	s3 =	simm.s32 $0x108;
	s8 =	sld [smem:$0x3FB4]  }
0x2e: {  	s3 =	simm.s32 @!p0 $0x1082;
	s9 =	sld [smem:$0x3FB5]  }
0x2f: {  	lr =	sadd.s32 s0, s3;
	s0 =	sld [smem:$0x3FAC]  }
0x30: {  	s3 =	sld [smem:$0x3FAF]  }
0x31: {  	[smem:$0x3FB8] =	sst s10  }
0x32: {  	s10 =	sld [smem:$0x3FB6];
	_ =	sdelay $0x3  }
0x33: {  	p0 =	seq.s32 s10, $0x1;
	s10 =	sld [smem:$0x3FB8];
	_ =	sdelay $0x3  }
0x34: {  	[smem:$0x3FB8] =	sst s10  }
0x35: {  	s10 =	sld [smem:$0x3FB7];
	_ =	sdelay $0x3  }
0x36: {  	p1 =	seq.s32 s10, $0x1;
	s10 =	sld [smem:$0x3FB8];
	_ =	sdelay $0x3  }
0x37: {  	[smem:$0x3FB8] =	sst s10  }
0x38: {  	s10 =	sld [smem:$0x3FB9]  }
0x39: {  	_ = 	snop;
	(pc) =	sbr.ind lr, $3  }
0x3a: {  	_ = 	snop  }
0x3b: {  	_ = 	snop  }
0x3c: {  	p2 =	seq.s32 s10, $0x1;
	s10 =	sld [smem:$0x3FB8]  }
0x3d: {  	_ =	shalt  }
0x3e: {  	_ =	shalt  }
0x3f: {  	_ =	shalt  }
0x40: {  	_ =	shalt  }
0x41: {  	_ =	shalt  }
0x42: {  	_ =	shalt  }
0x43: {  	_ =	shalt  }
0x44: {  	_ =	shalt  }
0x45: {  	_ =	shalt  }
0x46: {  	_ =	shalt  }
0x47: {  	_ =	shalt  }
0x48: {  	_ =	shalt  }
0x49: {  	_ =	shalt  }
0x4a: {  	_ =	shalt  }
0x4b: {  	_ =	shalt  }
0x4c: {  	_ =	shalt  }
0x4d: {  	_ =	shalt  }
0x4e: {  	_ =	shalt  }
0x4f: {  	_ =	shalt  }
0x50: {  	_ =	shalt  }
0x51: {  	_ =	shalt  }
0x52: {  	_ =	shalt  }
0x53: {  	_ =	shalt  }
0x54: {  	_ =	shalt  }
0x55: {  	_ =	shalt  }
0x56: {  	_ =	shalt  }
0x57: {  	_ =	shalt  }
0x58: {  	_ =	shalt  }
0x59: {  	_ =	shalt  }
0x5a: {  	_ =	shalt  }
0x5b: {  	_ =	shalt  }
0x5c: {  	_ =	shalt  }
0x5d: {  	_ =	shalt  }
0x5e: {  	_ =	shalt  }
0x5f: {  	_ =	shalt  }
0x60: {  	_ =	shalt  }
0x61: {  	_ =	shalt  }
0x62: {  	_ =	shalt  }
0x63: {  	_ =	shalt  }
0x64: {  	_ =	shalt  }
0x65: {  	_ =	shalt  }
0x66: {  	_ =	shalt  }
0x67: {  	_ =	shalt  }
0x68: {  	_ =	shalt  }
0x69: {  	_ =	shalt  }
0x6a: {  	_ =	shalt  }
0x6b: {  	_ =	shalt  }
0x6c: {  	_ =	shalt  }
0x6d: {  	_ =	shalt  }
0x6e: {  	_ =	shalt  }
0x6f: {  	_ =	shalt  }
0x70: {  	_ =	shalt  }
0x71: {  	_ =	shalt  }
0x72: {  	_ =	shalt  }
0x73: {  	_ =	shalt  }
0x74: {  	_ =	shalt  }
0x75: {  	_ =	shalt  }
0x76: {  	_ =	shalt  }
0x77: {  	_ =	shalt  }
0x78: {  	_ =	shalt  }
0x79: {  	_ =	shalt  }
0x7a: {  	_ =	shalt  }
0x7b: {  	_ =	shalt  }
0x7c: {  	_ =	shalt  }
0x7d: {  	_ =	shalt  }
0x7e: {  	_ =	shalt  }
0x7f: {  	_ =	shalt  }
0x80: {  	_ =	shalt  }
0x81: {  	_ =	shalt  }
0x82: {  	_ =	shalt  }
0x83: {  	_ =	shalt  }
0x84: {  	_ =	shalt  }
0x85: {  	_ =	shalt  }
0x86: {  	_ =	shalt  }
0x87: {  	_ =	shalt  }
.Lfunc_end0:
.L_simem_size_0:
called_computation.1_lowered:
.L_overlay_start_0:
0x88: {  	s2 =	sld [smem:$0x3FD9]  }
0x89: {  	s3 =	sld [smem:$0x3FFE];
	_ =	sdelay $0x1  }
0x8a: {  	s1 =	srdreg.scid  }
0x8b: {  	s0 =	sand.u32 $0x1, s1  }
0x8c: {  	s17 =	sshll.u32 s0, $0xA;
	s2 =	sadd.s32 s3, s2  }
0x8d: {  	s2 =	sadd.s32 s2, s17  }
0x8e: {  	[smem:$0x3FC4] =	sst s2  }
0x8f: {  	_ = 	snop  }
0x90: {  	s2 =	sld [smem:$0x3FD0];
	(tm) =	ssettm $0x1  }
0x91: {  	s18 =	sld [smem:$0x3FFB];
	_ =	sdelay $0x3  }
0x92: {  	_ =	strace s18  }
0x93: {  	s3 =	sld [smem:$0x3FFC];
	_ =	sdelay $0x3  }
0x94: {  	_ =	strace s3  }
0x95: {  	s3 =	sld [smem:$0x3FFD];
	_ =	sdelay $0x3  }
0x96: {  	_ =	strace s3  }
0x97: {  	_ =	strace $0x8FFFFFFF  }
0x98: {  	s19 =	sld [smem:$0x3FDB];
	_ =	sdelay $0x1  }
0x99: {  	s4 =	simm.s32 $_scs_section_size  }
0x9a: {  	s5 =	simm.s32 $_size__tile_overlayer_lowered;
	s6 =	simm.s32 $_tile_overlayer_lowered  }
0x9b: {  	s22 =	simm.s32 $0x1BFF;
	s21 =	sshll.u32 s6, $0x1;
	s3 =	sadd.s32 s4, s19  }
0x9c: {  	s7 =	simm.s32 $0x0;
	s20 =	sshll.u32 s5, $0x1;
	s5 =	sadd.s32 s21, s3  }
0x9d: {  	[timem:s7], [sflag:s22] =	dma.local [hbm:s5], s20  }
0x9e: {  	_ =	swait.ge [sflag:s22], s20  }
0x9f: {  	s4 =	ssub.s32 $0x0, s20;
	[sflag:s22] =	ssyncset.done $0x0  }
0xa0: {  	[sflag:s22] =	ssyncadd.s32 s4;
	_ =	sdelay $0x1  }
0xa1: {  	s23 =	simm.s32 $0x1B8B  }
0xa2: {  	_ =	swait.ge [sflag:s23], $0x1  }
0xa3: {  	[sflag:s23] =	ssyncset.done $0x0  }
0xa4: {  	s25 =	simm.s32 $0x1B8E;
	s24 =	sld [smem:$0x3FFE];
	[sflag:s23] =	ssyncadd.s32 $0xFFFFFFFF  }
0xa5: {  	s26 =	simm.s32 $execute0_lowered;
	[smem:$0x3FD2] =	sst s25  }
0xa6: {  	s5 =	sshll.u32 s26, $0x1;
	_ =	strace $0x80000049;
	[dreg:$0x1] =	wrdreg $0xFFFFFFFF  }
0xa7: {  	s28 =	simm.s32 $_size_execute0_lowered;
	s3 =	sadd.s32 s3, s5;
	[dreg:$0x0] =	wrdreg $0x0  }
0xa8: {  	s5 =	sshll.u32 s28, $0x1;
	[dreg:$0x2] =	wrdreg s3  }
0xa9: {  	[dreg:$0x3] =	wrdreg s5  }
0xaa: {  	[dreg:$0x4] =	wrdreg $0xC0  }
0xab: {  	_ =	task [dreg:s7], $0x5FFFF  }
0xac: {  	[dreg:$0x1] =	wrdreg $0xFFFFFFFF  }
0xad: {  	[dreg:$0x0] =	wrdreg $0x60  }
0xae: {  	[dreg:$0x2] =	wrdreg s24  }
0xaf: {  	[dreg:$0x3] =	wrdreg s2  }
0xb0: {  	[dreg:$0x4] =	wrdreg $0xB0000  }
0xb1: {  	[dreg:$0x5] =	wrdreg $0x9  }
0xb2: {  	_ =	task.clear_ibuf [dreg:s7], $0x6FFFF;
	_ =	strace $0x90000049  }
0xb3: {  	s29 =	simm.s32 $0x9;
	_ =	strace $0x8000004B  }
0xb4: {  	_ =	swait.ge [sflag:s29], $0x1  }
0xb5: {  	[sflag:s29] =	ssyncadd.s32 $0xFFFFFFFF  }
0xb6: {  	_ =	strace $0x9000004B  }
0xb7: {  	_ =	sfence  }
0xb8: {  	s30 =	sld [smem:$0x0];
	_ =	sdelay $0x2  }
0xb9: {  	s31 =	sshll.u32 s1, $0xD;
	s1 =	sshrl.u32 s1, $0x2  }
0xba: {  	s3 =	sand.u32 $0x4000, s31;
	s1 =	sadd.s32 s1, s30  }
0xbb: {  	s0 =	sor.u32 s3, s0;
	s1 =	sshll.u32 s1, $0x11  }
0xbc: {  	s0 =	sor.u32 s1, s0  }
0xbd: {  	s0 =	sadd.s32 $0x8F2B, s0  }
0xbe: {  	[sflag:s0] =	ssyncadd.remote.s32 $0x1  }
0xbf: {  	_ =	sfence.sel $0xFFFF  }
0xc0: {  	[dreg:$0x0] =	wrdreg $0xFFFFFFFF;
	(pc) =	sbr.abs _section_cstart, $3  }
0xc1: {  	[dreg:$0x1] =	wrdreg $0xFFFFFFFF  }
0xc2: {  	_ =	task.clear_ibuf [dreg:s7], $0x2FFFF;
	_ =	strace $0x9FFFFFFF  }
0xc3: {  	(tm) =	ssettm $0x7FFFFFFF  }
tec
execute0_lowered:
.L_overlay_start_1:
0x0: {  	(tag) =	ssettag $0x1  }
0x1: {  	s0 =	rddreg [dreg:$0x0]  }
0x2: {  	s2 =	rddreg [dreg:$0x1]  }
0x3: {  	s3 =	rddreg [dreg:$0x2];
	s1 =	srdreg.scid  }
0x4: {  	s10 =	stileid.u32;
	s12 =	simm.s32 $0x0;
	s29 =	simm.s32 $0x80  }
0x5: {  	s30 =	simm.s32 $0x7000;
	s31 =	simm.s32 $0x3;
	s8 =	smul.u32 $0x4E000, s10  }
0x6: {  	s1 =	sand.u32 $0x1, s1;
	s4 =	sshll.u32 s10, $0x1;
	s14 =	smul.u32 $0x2700, s10  }
0x7: {  	[smem:$0x7FF] =	sst s12;
	s5 =	sadd.s32 $0x1800, s0;
	s15 =	smul.u32 $0x4E200, s10  }
0x8: {  	s0 =	sadd.s32 $0x15800, s0;
	s17 =	smul.u32 $0x13800, s10;
	s18 =	sadd.s32 $0x124800, s3  }
0x9: {  	s19 =	smul.u32 $0x5000, s10;
	s11 =	sadd.s32 $0x24900, s2;
	p1 =	seq.s32 s10, $0xF  }
0xa: {  	s10 =	simm.s32 $0x2;
	s4 =	sor.u32 s1, s4;
	_ =	strace $0x8000004A  }
0xb: {  	s6 =	ssub.s32 $0x2, s1;
	s16 =	smul.u32 $0x138800, s1;
	[dreg:$0x9] =	wrdreg s18  }
0xc: {  	p0 =	seq.s32 s1, $0x1;
	[dreg:$0xa] =	wrdreg s11;
	s1 =	smul.u32 $0x2800, s1  }
0xd: {  	s11 =	simm.s32 $0x2D80;
	s18 =	simm.s32 $0x2E80;
	s7 =	sshrl.u32 s6, $0x1  }
0xe: {  	s4 =	smul.u32 $0x2800, s4;
	s8 =	sshrl.u32 s8, $0x2;
	s6 =	ssub.s32 s6, s7  }
0xf: {  	s8 =	sadd.s32 s8, s3;
	s1 =	sadd.s32 s1, s19;
	s23 =	sshrl.u32 s16, $0x3  }
0x10: {  	s19 =	simm.s32 $0x2F00;
	s4 =	sshrl.u32 s4, $0x3;
	[dreg:$0x7] =	wrdreg s8  }
0x11: {  	s8 =	sadd.s32 $0xC00, s1;
	s25 =	smax.u32 s6, $0x1;
	s28 =	sadd.s32 $0x800, s1  }
0x12: {  	s1 =	simm.s32 $0x2B00;
	s6 =	simm.s32 $0x2E00;
	s13 =	sadd.s32 s5, s4  }
0x13: {  	s4 =	sadd.s32 s2, s14;
	s24 =	sshrl.u32 s8, $0x3;
	[dreg:$0x12] =	wrdreg s25  }
0x14: {  	[dreg:$0x14] =	wrdreg s28;
	s25 =	simm.s32 $0x3000;
	s8 =	simm.s32 $0x2C80  }
0x15: {  	s14 =	simm.s32 $0x0;
	s9 =	sadd.s32 $0xA000, s13;
	[dreg:$0x4] =	wrdreg s13  }
0x16: {  	s7 =	sadd.s32 $0x80, s13;
	[dreg:$0x8] =	wrdreg s4;
	s4 =	sadd.s32 s17, s16  }
0x17: {  	s26 =	sadd.s32 s24, s5;
	s24 =	simm.s32 $0x2C00;
	[dreg:$0x5] =	wrdreg s9  }
0x18: {  	s16 =	simm.s32 $0x2A00;
	[dreg:$0x6] =	wrdreg s7;
	s7 =	sshrl.u32 s15, $0x2  }
0x19: {  	s4 =	sshrl.u32 s4, $0x3;
	[dreg:$0x13] =	wrdreg s26;
	s7 =	sadd.s32 s7, s3  }
0x1a: {  	s17 =	simm.s32 $0x2A80;
	s4 =	sadd.s32 s0, s4;
	[dreg:$0xb] =	wrdreg s7  }
0x1b: {  	s13 =	simm.s32 $0x2B80;
	s20 =	sadd.s32 $0x4000, s7;
	[dreg:$0x10] =	wrdreg s4  }
.Ltmp0:
0x1c: {  	s21 =	sadd.s32 $0x8000, s7;
	[dreg:$0xc] =	wrdreg s20;
	(pc) =	sbr.rel .LBB2_1-.Ltmp0, $4  }
0x1d: {  	s26 =	simm.s32 $0x6;
	s22 =	sadd.s32 $0xC000, s7;
	[dreg:$0xd] =	wrdreg s21  }
0x1e: {  	s0 =	sadd.s32 s0, s23;
	s7 =	sadd.s32 $0x10000, s7;
	[dreg:$0xe] =	wrdreg s22  }
0x1f: {  	s9 =	simm.s32 $0x2D00;
	s0 =	sadd.s32 $0x24900, s0;
	[dreg:$0xf] =	wrdreg s7  }
0x20: {  	v0 =	vimm.f32 $0.0e+00;
	[dreg:$0x11] =	wrdreg s0;
	s0 =	simm.s32 $0x1;
	s7 =	simm.s32 $0x4  }
.LBB2_9:
0x21: {  	[bflag:$0x0] =	sbarrier.arrive $0xFFFF  }
0x22: {  	s12 =	rddreg [dreg:$0x11]  }
0x23: {  	s4 =	simm.s32 @p1 $0x1FC6;
	s14 =	rddreg [dreg:$0x18]  }
0x24: {  	[hbm:s12], [sflag:s4] =	dma.local @p1 [spmem:s14], $0x2800  }
0x25: {  	s4 =	simm.s32 @p1 $0x6  }
0x26: {  	_ =	swait.ge @p1 [sflag:s4], $0x2800  }
0x27: {  	s12 =	rddreg [dreg:$0x16]  }
0x28: {  	[sflag:s4] =	ssyncset.done @p1 $0x0;
	s14 =	rddreg [dreg:$0x17]  }
0x29: {  	[sflag:s4] =	ssyncadd.s32 @p1 $0xFFFFD800;
	s4 =	rddreg [dreg:$0x10]  }
0x2a: {  	[hbm:s4], [sflag:s14] =	dma.local @!p1 [spmem:s12], $0x2700  }
0x2b: {  	s4 =	simm.s32 @!p1 $0x6  }
0x2c: {  	_ =	swait.ge @!p1 [sflag:s4], $0x2700  }
0x2d: {  	s23 =	rddreg [dreg:$0x15]  }
0x2e: {  	s28 =	rddreg [dreg:$0x12];
	s14 =	sadd.s32 $0x1, s23  }
0x2f: {  	p2 =	sne.s32 s14, s28  }
.Ltmp1:
0x30: {  	_ = 	snop;
	(pc) =	sbr.rel @!p2 .LBB2_10-.Ltmp1, $3  }
0x31: {  	_ =	sdelay $0x1  }
0x32: {  	[sflag:s4] =	ssyncset.done @!p1 $0x0  }
0x33: {  	s12 =	simm.s32 $0x0;
	[sflag:s4] =	ssyncadd.s32 @!p1 $0xFFFFD900  }
.LBB2_1:
0x34: {  	[dreg:$0x15] =	wrdreg s14  }
0x35: {  	s4 =	rddreg [dreg:$0x5]  }
0x36: {  	s22 =	rddreg [dreg:$0x4]  }
0x37: {  	s28 =	rddreg [dreg:$0x6]  }
0x38: {  	[tilespmem:s12], [sflag:$0x5] =	stream.linear.gather [hbm4b:s4+s12], $0x2800, $0x38;
	[tilespmem:$0x1EB00] =	vst v63  }
0x39: {  	s23 =	simm.s32 $0x2800;
	s14 =	rddreg [dreg:$0x9];
	s4 =	stileid.u32  }
0x3a: {  	s20 =	sshrl.u32 @p1 s14, $0x3;
	s14 =	rddreg [dreg:$0x7];
	s4 =	sshll.u32 @!p1 s4, $0x6  }
.Ltmp2:
0x3b: {  	s14 =	sshrl.u32 @!p1 s14, $0x3;
	[dreg:$0x18] =	wrdreg s20;
	(pc) =	sbr.rel @!p0 .LBB2_2-.Ltmp2, $4  }
0x3c: {  	[tilespmem:s23], [sflag:$0x3] =	stream.linear.gather [hbm4b:s22+s12], $0x400, $0x38;
	[tilespmem:$0x1EB00] =	vst v63  }
0x3d: {  	s15 =	sor.u32 @!p1 $0x1C06, s4;
	[dreg:$0x16] =	wrdreg s14  }
0x3e: {  	[dreg:$0x17] =	wrdreg s15  }
0x3f: {  	[tilespmem:s24], [sflag:$0x4] =	stream.linear.gather [hbm4b:s28+s12], $0x400, $0x38;
	[tilespmem:$0x1EB00] =	vst v63  }
0x40: {  	s4 =	sshra.s32 s12, $0x2;
	s20 =	sadd.s32 $0x200, s12  }
.LBB2_4:
0x41: {  	p2 =	sne.s32 s20, $0xFE00;
	[tilespmem:s4+$0x3070] =	vst v0  }
0x42: {  	[tilespmem:s4+$0x3000] =	vst v0  }
0x43: {  	[tilespmem:s4+$0x3010] =	vst v0  }
.Ltmp3:
0x44: {  	[tilespmem:s4+$0x3020] =	vst v0;
	(pc) =	sbr.rel @p2 .LBB2_4-.Ltmp3, $4  }
0x45: {  	[tilespmem:s4+$0x3030] =	vst v0  }
0x46: {  	[tilespmem:s4+$0x3040] =	vst v0  }
0x47: {  	[tilespmem:s4+$0x3050] =	vst v0  }
0x48: {  	[tilespmem:s4+$0x3060] =	vst v0;
	s4 =	sshra.s32 s20, $0x2;
	s20 =	sadd.s32 $0x200, s20  }
0x49: {  	[tilespmem:s4+$0x3070] =	vst v0  }
0x4a: {  	[tilespmem:s4+$0x3000] =	vst v0  }
0x4b: {  	[tilespmem:s4+$0x3010] =	vst v0  }
0x4c: {  	[tilespmem:s4+$0x3020] =	vst v0  }
0x4d: {  	[tilespmem:s4+$0x3030] =	vst v0  }
0x4e: {  	[tilespmem:s4+$0x3040] =	vst v0  }
0x4f: {  	[tilespmem:s4+$0x3050] =	vst v0  }
0x50: {  	[tilespmem:s4+$0x3060] =	vst v0;
	s20 =	rddreg [dreg:$0xb]  }
0x51: {  	[spmem:s20] =	stream.linear.scatter [tilespmem:s25], [sflag:$0x6], $0x4000, $0x38;
	[tilespmem:$0x1EB00] =	vst v63  }
0x52: {  	_ =	swait.ge [sflag:s26], $0x4000  }
0x53: {  	[sflag:s26] =	ssyncset.done $0x0  }
0x54: {  	s21 =	rddreg [dreg:$0xc];
	[sflag:s26] =	ssyncadd.s32 $0xFFFFC000  }
0x55: {  	[spmem:s21] =	stream.linear.scatter [tilespmem:s25], [sflag:$0x6], $0x4000, $0x38;
	[tilespmem:$0x1EB00] =	vst v63  }
0x56: {  	_ =	swait.ge [sflag:s26], $0x4000  }
0x57: {  	[sflag:s26] =	ssyncset.done $0x0  }
0x58: {  	s22 =	rddreg [dreg:$0xd];
	[sflag:s26] =	ssyncadd.s32 $0xFFFFC000  }
0x59: {  	[spmem:s22] =	stream.linear.scatter [tilespmem:s25], [sflag:$0x6], $0x4000, $0x38;
	[tilespmem:$0x1EB00] =	vst v63  }
0x5a: {  	_ =	swait.ge [sflag:s26], $0x4000  }
0x5b: {  	[sflag:s26] =	ssyncset.done $0x0  }
0x5c: {  	s23 =	rddreg [dreg:$0xe];
	[sflag:s26] =	ssyncadd.s32 $0xFFFFC000  }
0x5d: {  	[spmem:s23] =	stream.linear.scatter [tilespmem:s25], [sflag:$0x6], $0x4000, $0x38;
	[tilespmem:$0x1EB00] =	vst v63  }
0x5e: {  	_ =	swait.ge [sflag:s26], $0x4000  }
0x5f: {  	[sflag:s26] =	ssyncset.done $0x0  }
.Ltmp4:
0x60: {  	s28 =	rddreg [dreg:$0xf];
	[sflag:s26] =	ssyncadd.s32 $0xFFFFC000;
	(pc) =	sbr.rel .LBB2_6-.Ltmp4, $4  }
0x61: {  	[spmem:s28] =	stream.linear.scatter [tilespmem:s25], [sflag:$0x6], $0x4000, $0x38;
	[tilespmem:$0x1EB00] =	vst v63  }
0x62: {  	_ =	swait.ge [sflag:s26], $0x4000  }
0x63: {  	[sflag:s26] =	ssyncset.done $0x0  }
0x64: {  	[sflag:s26] =	ssyncadd.s32 $0xFFFFC000  }
.LBB2_2:
0x65: {  	s4 =	simm.s32 @p1 $0x1FC6;
	s12 =	rddreg [dreg:$0xa]  }
0x66: {  	[spmem:s20], [sflag:s4] =	dma.local @p1 [hbm:s12], $0x2800  }
0x67: {  	s4 =	simm.s32 @p1 $0x6  }
0x68: {  	_ =	swait.ge @p1 [sflag:s4], $0x2800  }
0x69: {  	[sflag:s4] =	ssyncset.done @p1 $0x0  }
0x6a: {  	[sflag:s4] =	ssyncadd.s32 @p1 $0xFFFFD800;
	s4 =	rddreg [dreg:$0x8]  }
0x6b: {  	[spmem:s14], [sflag:s15] =	dma.local @!p1 [hbm:s4], $0x2700  }
0x6c: {  	s4 =	simm.s32 @!p1 $0x6  }
0x6d: {  	_ =	swait.ge @!p1 [sflag:s4], $0x2700  }
0x6e: {  	[sflag:s4] =	ssyncset.done @!p1 $0x0  }
0x6f: {  	[sflag:s4] =	ssyncadd.s32 @!p1 $0xFFFFD900  }
.LBB2_6:
0x70: {  	s4 =	simm.s32 $0x5  }
0x71: {  	_ =	swait.ge [sflag:s4], $0x2800  }
0x72: {  	[sflag:s4] =	ssyncset.done $0x0  }
0x73: {  	[sflag:s4] =	ssyncadd.s32 $0xFFFFD800  }
0x74: {  	s21 =	simm.s32 $0x0;
	[bflag:$0x0] =	sbarrier.arrive $0xFFFF  }
0x75: {  	[tilespmem:s25], [sflag:$0x1] =	stream.indirect.gather [hbm4b:s2+s29], $0x80, s21, s29, $0xb8;
	[tilespmem:$0x1EB00] =	vst v63  }
0x76: {  	s28 =	rddreg [dreg:$0x14]  }
0x77: {  	s15 =	simm.s32 $0x0;
	s22 =	simm.s32 $0x1;
	s20 =	rddreg [dreg:$0x13]  }
0x78: {  	[tilespmem:s30], [sflag:$0x2] =	stream.indirect.gather [hbm4b:s2+s29], $0x80, s29, s29, $0xb8;
	[tilespmem:$0x1EB00] =	vst v63  }
.LBB2_7:
0x79: {  	_ =	swait.ge [sflag:s31], $0x400  }
0x7a: {  	[sflag:s31] =	ssyncset.done $0x0  }
0x7b: {  	[sflag:s31] =	ssyncadd.s32 $0xFFFFFC00  }
0x7c: {  	_ =	swait.ge [sflag:s0], $0x4000  }
0x7d: {  	[sflag:s0] =	ssyncset.done $0x0  }
0x7e: {  	s4 =	simm.s32 $0x2800;
	[sflag:s0] =	ssyncadd.s32 $0xFFFFC000  }
0x7f: {  	[spmem:s3] =	stream.indirect.scatter.add.f32 [tilespmem:s25], [sflag:$0x6], $0x80, s4, s29, $0xb8;
	[tilespmem:$0x1EB00] =	vst v63  }
0x80: {  	_ =	swait.ge [sflag:s26], $0x4000  }
0x81: {  	s4 =	sshra.s32 s21, $0x2;
	[sflag:s26] =	ssyncset.done $0x0  }
0x82: {  	s23 =	sadd.s32 $0x100, s4;
	[sflag:s26] =	ssyncadd.s32 $0xFFFFC000  }
0x83: {  	[tilespmem:s25], [sflag:$0x1] =	stream.indirect.gather [hbm4b:s2+s29], $0x80, s23, s29, $0xb8;
	[tilespmem:$0x1EB00] =	vst v63  }
0x84: {  	_ =	swait.ge [sflag:s10], $0x4000  }
0x85: {  	[sflag:s10] =	ssyncset.done $0x0  }
0x86: {  	s12 =	simm.s32 $0x2880;
	[sflag:s10] =	ssyncadd.s32 $0xFFFFC000  }
0x87: {  	[spmem:s3] =	stream.indirect.scatter.add.f32 [tilespmem:s30], [sflag:$0x6], $0x80, s12, s29, $0xb8;
	[tilespmem:$0x1EB00] =	vst v63  }
0x88: {  	_ =	swait.ge [sflag:s26], $0x4000  }
0x89: {  	[sflag:s26] =	ssyncset.done $0x0  }
0x8a: {  	s14 =	sadd.s32 $0x180, s4;
	[sflag:s26] =	ssyncadd.s32 $0xFFFFC000  }
0x8b: {  	[tilespmem:s30], [sflag:$0x2] =	stream.indirect.gather [hbm4b:s2+s29], $0x80, s14, s29, $0xb8;
	[tilespmem:$0x1EB00] =	vst v63  }
0x8c: {  	_ =	swait.ge [sflag:s0], $0x4000  }
0x8d: {  	[sflag:s0] =	ssyncset.done $0x0  }
0x8e: {  	s23 =	simm.s32 $0x2900;
	[sflag:s0] =	ssyncadd.s32 $0xFFFFC000  }
0x8f: {  	[spmem:s3] =	stream.indirect.scatter.add.f32 [tilespmem:s25], [sflag:$0x6], $0x80, s23, s29, $0xb8;
	[tilespmem:$0x1EB00] =	vst v63  }
0x90: {  	_ =	swait.ge [sflag:s26], $0x4000  }
0x91: {  	[sflag:s26] =	ssyncset.done $0x0  }
0x92: {  	s14 =	sadd.s32 $0x200, s4;
	[sflag:s26] =	ssyncadd.s32 $0xFFFFC000  }
0x93: {  	[tilespmem:s25], [sflag:$0x1] =	stream.indirect.gather [hbm4b:s2+s29], $0x80, s14, s29, $0xb8;
	[tilespmem:$0x1EB00] =	vst v63  }
0x94: {  	_ =	swait.ge [sflag:s10], $0x4000  }
0x95: {  	[sflag:s10] =	ssyncset.done $0x0  }
0x96: {  	s23 =	simm.s32 $0x2980;
	[sflag:s10] =	ssyncadd.s32 $0xFFFFC000  }
0x97: {  	[spmem:s3] =	stream.indirect.scatter.add.f32 [tilespmem:s30], [sflag:$0x6], $0x80, s23, s29, $0xb8;
	[tilespmem:$0x1EB00] =	vst v63  }
0x98: {  	_ =	swait.ge [sflag:s26], $0x4000  }
0x99: {  	[sflag:s26] =	ssyncset.done $0x0  }
0x9a: {  	s14 =	sadd.s32 $0x280, s4;
	[sflag:s26] =	ssyncadd.s32 $0xFFFFC000  }
0x9b: {  	[tilespmem:s30], [sflag:$0x2] =	stream.indirect.gather [hbm4b:s2+s29], $0x80, s14, s29, $0xb8;
	[tilespmem:$0x1EB00] =	vst v63  }
0x9c: {  	_ =	swait.ge [sflag:s0], $0x4000  }
0x9d: {  	[sflag:s0] =	ssyncset.done $0x0  }
0x9e: {  	[sflag:s0] =	ssyncadd.s32 $0xFFFFC000  }
0x9f: {  	[spmem:s3] =	stream.indirect.scatter.add.f32 [tilespmem:s25], [sflag:$0x6], $0x80, s16, s29, $0xb8;
	[tilespmem:$0x1EB00] =	vst v63  }
0xa0: {  	_ =	swait.ge [sflag:s26], $0x4000  }
0xa1: {  	[sflag:s26] =	ssyncset.done $0x0  }
0xa2: {  	s12 =	sadd.s32 $0x300, s4;
	[sflag:s26] =	ssyncadd.s32 $0xFFFFC000  }
0xa3: {  	[tilespmem:s25], [sflag:$0x1] =	stream.indirect.gather [hbm4b:s2+s29], $0x80, s12, s29, $0xb8;
	[tilespmem:$0x1EB00] =	vst v63  }
0xa4: {  	_ =	swait.ge [sflag:s10], $0x4000  }
0xa5: {  	[sflag:s10] =	ssyncset.done $0x0  }
0xa6: {  	[sflag:s10] =	ssyncadd.s32 $0xFFFFC000  }
0xa7: {  	[spmem:s3] =	stream.indirect.scatter.add.f32 [tilespmem:s30], [sflag:$0x6], $0x80, s17, s29, $0xb8;
	[tilespmem:$0x1EB00] =	vst v63  }
0xa8: {  	_ =	swait.ge [sflag:s26], $0x4000  }
0xa9: {  	[sflag:s26] =	ssyncset.done $0x0  }
0xaa: {  	s14 =	sadd.s32 $0x380, s4;
	[sflag:s26] =	ssyncadd.s32 $0xFFFFC000  }
0xab: {  	[tilespmem:s30], [sflag:$0x2] =	stream.indirect.gather [hbm4b:s2+s29], $0x80, s14, s29, $0xb8;
	[tilespmem:$0x1EB00] =	vst v63  }
0xac: {  	_ =	swait.ge [sflag:s0], $0x4000  }
0xad: {  	[sflag:s0] =	ssyncset.done $0x0  }
0xae: {  	[sflag:s0] =	ssyncadd.s32 $0xFFFFC000  }
0xaf: {  	[spmem:s3] =	stream.indirect.scatter.add.f32 [tilespmem:s25], [sflag:$0x6], $0x80, s1, s29, $0xb8;
	[tilespmem:$0x1EB00] =	vst v63  }
0xb0: {  	_ =	swait.ge [sflag:s26], $0x4000  }
0xb1: {  	[sflag:s26] =	ssyncset.done $0x0  }
0xb2: {  	s12 =	sadd.s32 $0x400, s4;
	[sflag:s26] =	ssyncadd.s32 $0xFFFFC000  }
0xb3: {  	[tilespmem:s25], [sflag:$0x1] =	stream.indirect.gather [hbm4b:s2+s29], $0x80, s12, s29, $0xb8;
	[tilespmem:$0x1EB00] =	vst v63  }
0xb4: {  	_ =	swait.ge [sflag:s10], $0x4000  }
0xb5: {  	[sflag:s10] =	ssyncset.done $0x0  }
0xb6: {  	[sflag:s10] =	ssyncadd.s32 $0xFFFFC000  }
0xb7: {  	[spmem:s3] =	stream.indirect.scatter.add.f32 [tilespmem:s30], [sflag:$0x6], $0x80, s13, s29, $0xb8;
	[tilespmem:$0x1EB00] =	vst v63  }
0xb8: {  	_ =	swait.ge [sflag:s26], $0x4000  }
0xb9: {  	p2 =	seq.s32 s21, $0x8000;
	[sflag:s26] =	ssyncset.done $0x0  }
0xba: {  	s23 =	sshrl.u32 @!p2 s28, $0x3;
	s14 =	sadd.s32 $0x480, s4;
	[sflag:s26] =	ssyncadd.s32 $0xFFFFC000  }
0xbb: {  	[tilespmem:s30], [sflag:$0x2] =	stream.indirect.gather [hbm4b:s2+s29], $0x80, s14, s29, $0xb8;
	[tilespmem:$0x1EB00] =	vst v63  }
0xbc: {  	s23 =	sadd.s32 @!p2 s5, s23;
	s12 =	simm.s32 @!p2 $0x0;
	s14 =	simm.s32 @!p2 $0x2800  }
0xbd: {  	[tilespmem:s14], [sflag:$0x3] =	stream.linear.gather @!p2 [hbm4b:s23+s12], $0x400, $0x38;
	[tilespmem:$0x1EB00] =	vst v63  }
0xbe: {  	_ =	swait.ge [sflag:s7], $0x400  }
0xbf: {  	[sflag:s7] =	ssyncset.done $0x0  }
0xc0: {  	[sflag:s7] =	ssyncadd.s32 $0xFFFFFC00  }
0xc1: {  	_ =	swait.ge [sflag:s0], $0x4000  }
0xc2: {  	[sflag:s0] =	ssyncset.done $0x0  }
0xc3: {  	[sflag:s0] =	ssyncadd.s32 $0xFFFFC000  }
0xc4: {  	[spmem:s3] =	stream.indirect.scatter.add.f32 [tilespmem:s25], [sflag:$0x6], $0x80, s24, s29, $0xb8;
	[tilespmem:$0x1EB00] =	vst v63  }
0xc5: {  	_ =	swait.ge [sflag:s26], $0x4000  }
0xc6: {  	[sflag:s26] =	ssyncset.done $0x0  }
0xc7: {  	s23 =	sadd.s32 $0x500, s4;
	[sflag:s26] =	ssyncadd.s32 $0xFFFFC000  }
0xc8: {  	[tilespmem:s25], [sflag:$0x1] =	stream.indirect.gather [hbm4b:s2+s29], $0x80, s23, s29, $0xb8;
	[tilespmem:$0x1EB00] =	vst v63  }
0xc9: {  	_ =	swait.ge [sflag:s10], $0x4000  }
0xca: {  	[sflag:s10] =	ssyncset.done $0x0  }
0xcb: {  	[sflag:s10] =	ssyncadd.s32 $0xFFFFC000  }
0xcc: {  	[spmem:s3] =	stream.indirect.scatter.add.f32 [tilespmem:s30], [sflag:$0x6], $0x80, s8, s29, $0xb8;
	[tilespmem:$0x1EB00] =	vst v63  }
0xcd: {  	_ =	swait.ge [sflag:s26], $0x4000  }
0xce: {  	[sflag:s26] =	ssyncset.done $0x0  }
0xcf: {  	s14 =	sadd.s32 $0x580, s4;
	[sflag:s26] =	ssyncadd.s32 $0xFFFFC000  }
0xd0: {  	[tilespmem:s30], [sflag:$0x2] =	stream.indirect.gather [hbm4b:s2+s29], $0x80, s14, s29, $0xb8;
	[tilespmem:$0x1EB00] =	vst v63  }
0xd1: {  	_ =	swait.ge [sflag:s0], $0x4000  }
0xd2: {  	[sflag:s0] =	ssyncset.done $0x0  }
0xd3: {  	[sflag:s0] =	ssyncadd.s32 $0xFFFFC000  }
0xd4: {  	[spmem:s3] =	stream.indirect.scatter.add.f32 [tilespmem:s25], [sflag:$0x6], $0x80, s9, s29, $0xb8;
	[tilespmem:$0x1EB00] =	vst v63  }
0xd5: {  	_ =	swait.ge [sflag:s26], $0x4000  }
0xd6: {  	[sflag:s26] =	ssyncset.done $0x0  }
0xd7: {  	s23 =	sadd.s32 $0x600, s4;
	[sflag:s26] =	ssyncadd.s32 $0xFFFFC000  }
0xd8: {  	[tilespmem:s25], [sflag:$0x1] =	stream.indirect.gather [hbm4b:s2+s29], $0x80, s23, s29, $0xb8;
	[tilespmem:$0x1EB00] =	vst v63  }
0xd9: {  	_ =	swait.ge [sflag:s10], $0x4000  }
0xda: {  	[sflag:s10] =	ssyncset.done $0x0  }
0xdb: {  	[sflag:s10] =	ssyncadd.s32 $0xFFFFC000  }
0xdc: {  	[spmem:s3] =	stream.indirect.scatter.add.f32 [tilespmem:s30], [sflag:$0x6], $0x80, s11, s29, $0xb8;
	[tilespmem:$0x1EB00] =	vst v63  }
0xdd: {  	_ =	swait.ge [sflag:s26], $0x4000  }
0xde: {  	[sflag:s26] =	ssyncset.done $0x0  }
0xdf: {  	s14 =	sadd.s32 $0x680, s4;
	[sflag:s26] =	ssyncadd.s32 $0xFFFFC000  }
0xe0: {  	[tilespmem:s30], [sflag:$0x2] =	stream.indirect.gather [hbm4b:s2+s29], $0x80, s14, s29, $0xb8;
	[tilespmem:$0x1EB00] =	vst v63  }
0xe1: {  	_ =	swait.ge [sflag:s0], $0x4000  }
0xe2: {  	[sflag:s0] =	ssyncset.done $0x0  }
0xe3: {  	[sflag:s0] =	ssyncadd.s32 $0xFFFFC000  }
0xe4: {  	[spmem:s3] =	stream.indirect.scatter.add.f32 [tilespmem:s25], [sflag:$0x6], $0x80, s6, s29, $0xb8;
	[tilespmem:$0x1EB00] =	vst v63  }
0xe5: {  	_ =	swait.ge [sflag:s26], $0x4000  }
0xe6: {  	[sflag:s26] =	ssyncset.done $0x0  }
0xe7: {  	s23 =	sadd.s32 $0x700, s4;
	[sflag:s26] =	ssyncadd.s32 $0xFFFFC000  }
0xe8: {  	[tilespmem:s25], [sflag:$0x1] =	stream.indirect.gather [hbm4b:s2+s29], $0x80, s23, s29, $0xb8;
	[tilespmem:$0x1EB00] =	vst v63  }
0xe9: {  	_ =	swait.ge [sflag:s10], $0x4000  }
0xea: {  	[sflag:s10] =	ssyncset.done $0x0  }
0xeb: {  	[sflag:s10] =	ssyncadd.s32 $0xFFFFC000  }
0xec: {  	[spmem:s3] =	stream.indirect.scatter.add.f32 [tilespmem:s30], [sflag:$0x6], $0x80, s18, s29, $0xb8;
	[tilespmem:$0x1EB00] =	vst v63  }
0xed: {  	_ =	swait.ge [sflag:s26], $0x4000  }
0xee: {  	[sflag:s26] =	ssyncset.done $0x0  }
0xef: {  	s4 =	sadd.s32 $0x780, s4;
	[sflag:s26] =	ssyncadd.s32 $0xFFFFC000  }
0xf0: {  	[tilespmem:s30], [sflag:$0x2] =	stream.indirect.gather [hbm4b:s2+s29], $0x80, s4, s29, $0xb8;
	[tilespmem:$0x1EB00] =	vst v63  }
0xf1: {  	_ =	swait.ge [sflag:s0], $0x4000  }
0xf2: {  	[sflag:s0] =	ssyncset.done $0x0  }
0xf3: {  	[sflag:s0] =	ssyncadd.s32 $0xFFFFC000  }
0xf4: {  	[spmem:s3] =	stream.indirect.scatter.add.f32 [tilespmem:s25], [sflag:$0x6], $0x80, s19, s29, $0xb8;
	[tilespmem:$0x1EB00] =	vst v63  }
0xf5: {  	_ =	swait.ge [sflag:s26], $0x4000  }
0xf6: {  	p3 =	sgt.u32 s22, $0x8;
	[sflag:s26] =	ssyncset.done $0x0  }
0xf7: {  	s4 =	simm.s32 @p3 $0x2;
	[sflag:s26] =	ssyncadd.s32 $0xFFFFC000  }
0xf8: {  	_ =	swait.ge @p3 [sflag:s4], $0x4000  }
0xf9: {  	s12 =	simm.s32 @p3 $0x2F80;
	[sflag:s4] =	ssyncset.done @p3 $0x0  }
0xfa: {  	s14 =	simm.s32 @p3 $0x7000;
	[sflag:s4] =	ssyncadd.s32 @p3 $0xFFFFC000;
	s4 =	simm.s32 @p3 $0x80  }
0xfb: {  	[spmem:s3] =	stream.indirect.scatter.add.f32 @p3 [tilespmem:s14], [sflag:$0x6], $0x80, s12, s4, $0xb8;
	[tilespmem:$0x1EB00] =	vst v63  }
0xfc: {  	s4 =	simm.s32 @p3 $0x6  }
0xfd: {  	_ =	swait.ge @p3 [sflag:s4], $0x4000  }
0xfe: {  	[sflag:s4] =	ssyncset.done @p3 $0x0  }
0xff: {  	[sflag:s4] =	ssyncadd.s32 @p3 $0xFFFFC000;
	s4 =	sshra.s32 @!p3 s21, $0x2  }
0x100: {  	s23 =	simm.s32 @!p3 $0x3000;
	s14 =	simm.s32 @!p3 $0x80;
	s12 =	sadd.s32 @!p3 $0x800, s4  }
0x101: {  	[tilespmem:s23], [sflag:$0x1] =	stream.indirect.gather @!p3 [hbm4b:s2+s14], $0x80, s12, s14, $0xb8;
	[tilespmem:$0x1EB00] =	vst v63  }
0x102: {  	s12 =	simm.s32 @!p3 $0x2  }
0x103: {  	_ =	swait.ge @!p3 [sflag:s12], $0x4000  }
0x104: {  	[sflag:s12] =	ssyncset.done @!p3 $0x0  }
0x105: {  	s23 =	simm.s32 @!p3 $0x7000;
	[sflag:s12] =	ssyncadd.s32 @!p3 $0xFFFFC000;
	s12 =	simm.s32 @!p3 $0x2F80  }
0x106: {  	[spmem:s3] =	stream.indirect.scatter.add.f32 @!p3 [tilespmem:s23], [sflag:$0x6], $0x80, s12, s14, $0xb8;
	[tilespmem:$0x1EB00] =	vst v63  }
.Ltmp5:
0x107: {  	s12 =	simm.s32 @!p3 $0x6;
	(pc) =	sbr.rel @p2 .LBB2_9-.Ltmp5, $4  }
0x108: {  	_ =	swait.ge @!p3 [sflag:s12], $0x4000  }
0x109: {  	[sflag:s12] =	ssyncset.done @!p3 $0x0  }
0x10a: {  	s4 =	sadd.s32 @!p3 $0x880, s4;
	[sflag:s12] =	ssyncadd.s32 @!p3 $0xFFFFC000  }
0x10b: {  	[tilespmem:s23], [sflag:$0x2] =	stream.indirect.gather @!p3 [hbm4b:s2+s14], $0x80, s4, s14, $0xb8;
	[tilespmem:$0x1EB00] =	vst v63  }
.Ltmp6:
0x10c: {  	(pc) =	sbr.rel .LBB2_7-.Ltmp6, $4  }
0x10d: {  	_ = 	snop  }
0x10e: {  	[tilespmem:s24], [sflag:$0x4] =	stream.linear.gather [hbm4b:s20+s15], $0x400, $0x38;
	[tilespmem:$0x1EB00] =	vst v63  }
0x10f: {  	s20 =	sadd.s32 $0x100, s20  }
0x110: {  	s28 =	sadd.s32 $0x800, s28;
	s21 =	sadd.s32 $0x2000, s21;
	s22 =	sadd.s32 $0x2, s22  }
.LBB2_10:
0x111: {  	_ =	sfence.sel $0x180000  }
0x112: {  	[bflag:$0x0] =	sbarrier.arrive $0xFFFF  }
0x113: {  	_ =	strace $0x9000004A  }
0x114: {  	s0 =	stileid.u32;
	[bflag:$0x2] =	sbarrier.arrive $0xFFFF  }
0x115: {  	p0 =	sne.s32 s0, $0x0;
	s0 =	rddreg [dreg:$0x3]  }
0x116: {  	s0 =	sadd.s32 @!p0 $0x100000, s0  }
0x117: {  	[sflag:s0] =	ssyncadd.tile.s32 @!p0 $0x1;
	_ =	shalt  }
.Lfunc_end2:
_tile_overlayer_lowered:
.L_overlay_start_2:
0x118: {  	(tag) =	ssettag $0x2  }
0x119: {  	s0 =	rddreg [dreg:$0x0];
	s2 =	stileid.u32  }
0x11a: {  	s1 =	rddreg [dreg:$0x1];
	p0 =	sne.s32 s2, $0x0  }
0x11b: {  	s3 =	rddreg [dreg:$0x2];
	[bflag:$0x3] =	sbarrier.arrive $0xFFFF;
	s2 =	simm.s32 @!p0 $0x1C06  }
0x11c: {  	[timem:s3], [sflag:s2] =	dma.local @!p0 [hbm:s0], s1  }
0x11d: {  	s0 =	simm.s32 @!p0 $0x6  }
0x11e: {  	_ =	swait.ge @!p0 [sflag:s0], s1  }
0x11f: {  	s1 =	ssub.s32 @!p0 $0x0, s1;
	[sflag:s0] =	ssyncset.done @!p0 $0x0  }
0x120: {  	[sflag:s0] =	ssyncadd.s32 @!p0 s1  }
0x121: {  	[bflag:$0x3] =	sbarrier.arrive $0xFFFF  }
0x122: {  	_ =	shalt  }

</sc_bundles>
